<compile_context>
chip_gen: v7x
topology: tpu7x:2x2x1
jax: 0.10.2.dev20260603
libtpu: 0.0.44.dev20260713+nightly
codegen_flags: <defaults>
</compile_context>

<pallas_src>
import jax
import jax.numpy as jnp
from jax import lax
from jax.experimental import pallas as pl
from jax.experimental.pallas import tpu as pltpu
from jax.experimental.pallas import tpu_sc as plsc

N_NODES = 10000
N_EDGES = 320000
D_FEAT = 128

NUM_CORES = 2
NUM_SUBCORES = 16
NUM_LANES = 16
D_HALF = D_FEAT // NUM_CORES

CHUNK = 128
TOTAL_CHUNKS = N_EDGES // CHUNK
MAIN_CHUNKS = TOTAL_CHUNKS // NUM_SUBCORES
LEFT = TOTAL_CHUNKS - MAIN_CHUNKS * NUM_SUBCORES
CAP_CHUNKS = MAIN_CHUNKS + 1
MAIN_EDGES = MAIN_CHUNKS * CHUNK

ACC_ROWS = 10112
ROWS_PER_SUBCORE = ACC_ROWS // NUM_SUBCORES


def _sc_body(emb_hbm, edge_hbm, zeros_hbm,
             part_hbm, deg_hbm,
             src_v, dst_v, rows0_v, rows1_v, rows2_v, zb_v, hist_v, acc_sh,
             gsem0, gsem1, gsem2, ssem0, ssem1, ssem2):
  c = lax.axis_index("c")
  s = lax.axis_index("s")
  rows = [rows0_v, rows1_v, rows2_v]
  gsem = [gsem0, gsem1, gsem2]
  ssem = [ssem0, ssem1, ssem2]

  pltpu.sync_copy(zeros_hbm, zb_v)

  @pl.loop(0, ACC_ROWS // NUM_LANES)
  def _(i):
    hist_v[pl.ds(i * NUM_LANES, NUM_LANES)] = jnp.zeros((NUM_LANES,),
                                                        jnp.float32)

  base = s * ROWS_PER_SUBCORE
  for k in range(ROWS_PER_SUBCORE // CHUNK):
    pltpu.sync_copy(zb_v, acc_sh.at[pl.ds(base + k * CHUNK, CHUNK)])
  rem = ROWS_PER_SUBCORE % CHUNK
  if rem:
    off = base + (ROWS_PER_SUBCORE // CHUNK) * CHUNK
    pltpu.sync_copy(zb_v.at[pl.ds(0, rem)], acc_sh.at[pl.ds(off, rem)])

  plsc.subcore_barrier()

  pltpu.sync_copy(edge_hbm.at[0, pl.ds(s * MAIN_EDGES, MAIN_EDGES)],
                  src_v.at[pl.ds(0, MAIN_EDGES)])
  pltpu.sync_copy(edge_hbm.at[1, pl.ds(s * MAIN_EDGES, MAIN_EDGES)],
                  dst_v.at[pl.ds(0, MAIN_EDGES)])

  @pl.when(s < LEFT)
  def _():
    off = MAIN_EDGES * NUM_SUBCORES + s * CHUNK
    pltpu.sync_copy(edge_hbm.at[0, pl.ds(off, CHUNK)],
                    src_v.at[pl.ds(MAIN_EDGES, CHUNK)])
    pltpu.sync_copy(edge_hbm.at[1, pl.ds(off, CHUNK)],
                    dst_v.at[pl.ds(MAIN_EDGES, CHUNK)])

  n_chunks = jnp.where(s < LEFT, CAP_CHUNKS, MAIN_CHUNKS)

  emb_half = emb_hbm.at[c]

  def sidx(j):
    return src_v.at[pl.ds(j * CHUNK, CHUNK)]

  def didx(j):
    return dst_v.at[pl.ds(j * CHUNK, CHUNK)]

  def gather(j, b):
    pltpu.async_copy(emb_half.at[sidx(j)], rows[b], gsem[b])

  def wait_gather(j, b):
    pltpu.make_async_copy(emb_half.at[sidx(j)], rows[b], gsem[b]).wait()

  def scatter(j, b):
    pltpu.async_copy(rows[b], acc_sh.at[didx(j)], ssem[b], add=True)

  def wait_scatter(b):
    pltpu.make_async_copy(rows[b], acc_sh.at[didx(0)], ssem[b]).wait()

  def hist(j, u):
    @pl.when(c == (u % 2))
    def _():
      ones = jnp.ones((NUM_LANES,), jnp.float32)
      for k in range(CHUNK // NUM_LANES):
        idx = dst_v[pl.ds(j * CHUNK + k * NUM_LANES, NUM_LANES)]
        plsc.addupdate_scatter(hist_v, [idx], ones)

  gather(0, 0)
  gather(1, 1)

  @pl.loop(0, MAIN_CHUNKS // 3)
  def _(i):
    for u in range(3):
      j = 3 * i + u
      b = u
      nb = (u + 2) % 3
      wait_gather(j, b)
      scatter(j, b)
      hist(j, u)

      @pl.when(j + 2 < n_chunks)
      def _():
        @pl.when(j >= 1)
        def _():
          wait_scatter(nb)

        gather(j + 2, nb)

  @pl.when(s < LEFT)
  def _():
    wait_gather(MAIN_CHUNKS, MAIN_CHUNKS % 3)
    scatter(MAIN_CHUNKS, MAIN_CHUNKS % 3)
    hist(MAIN_CHUNKS, MAIN_CHUNKS % 3)

  for b in range(3):
    wait_scatter(b)

  plsc.subcore_barrier()

  pltpu.sync_copy(acc_sh.at[pl.ds(base, ROWS_PER_SUBCORE)],
                  part_hbm.at[c, pl.ds(base, ROWS_PER_SUBCORE)])
  pltpu.sync_copy(hist_v, deg_hbm.at[c, s])


def _combine_body(part_ref, d_ref, o_ref):
  deg = jnp.sum(d_ref[...].reshape(NUM_CORES * NUM_SUBCORES, ACC_ROWS),
                axis=0)[:N_NODES]
  deg = jnp.maximum(deg, 1.0).reshape(N_NODES, 1)
  halves = jnp.concatenate(
      [part_ref[0, :N_NODES, :], part_ref[1, :N_NODES, :]], axis=1)
  o_ref[...] = halves / deg


@jax.jit
def kernel(user_emb, edge_index):
  edge_i32 = edge_index.astype(jnp.int32)

  emb_t = user_emb.reshape(N_NODES, NUM_CORES, D_HALF).transpose(1, 0, 2)

  zhalf = jnp.zeros((CHUNK, D_HALF), jnp.float32)

  mesh = plsc.VectorSubcoreMesh(core_axis_name="c", subcore_axis_name="s")
  sc = pl.kernel(
      _sc_body,
      out_type=[
          jax.ShapeDtypeStruct((NUM_CORES, ACC_ROWS, D_HALF), jnp.float32),
          jax.ShapeDtypeStruct((NUM_CORES, NUM_SUBCORES, ACC_ROWS),
                               jnp.float32),
      ],
      mesh=mesh,
      compiler_params=pltpu.CompilerParams(use_tc_tiling_on_sc=False,
                                           needs_layout_passes=False),
      scratch_types=[
          pltpu.VMEM((CAP_CHUNKS * CHUNK,), jnp.int32),
          pltpu.VMEM((CAP_CHUNKS * CHUNK,), jnp.int32),
          pltpu.VMEM((CHUNK, D_HALF), jnp.float32),
          pltpu.VMEM((CHUNK, D_HALF), jnp.float32),
          pltpu.VMEM((CHUNK, D_HALF), jnp.float32),
          pltpu.VMEM((CHUNK, D_HALF), jnp.float32),
          pltpu.VMEM((ACC_ROWS,), jnp.float32),
          pltpu.VMEM_SHARED((ACC_ROWS, D_HALF), jnp.float32),
      ] + [pltpu.SemaphoreType.DMA] * 6,
  )
  part, deg = sc(emb_t, edge_i32, zhalf)

  out = pl.pallas_call(
      _combine_body,
      out_shape=jax.ShapeDtypeStruct((N_NODES, D_FEAT), jnp.float32),
  )(part, deg)
  return out

# --- scband reference (transcript-rebuilt; emitter-appended) ---
"""Pipeline reference for scband-social-conv-70892730188375 (READ-ONLY COPY).

The authoritative reference and input builder live on the scoring server;
editing this copy changes nothing except your own understanding.
"""

import jax, jax.numpy as jnp
import numpy as np

N_NODES = 10000
N_EDGES = 320000
D_FEAT = 128


def setup_inputs(seed: int = 0) -> dict:
    key = jax.random.key(seed)
    k1, k2 = jax.random.split(key)
    user_emb = jax.random.normal(k1, (N_NODES, D_FEAT), dtype=jnp.float32)
    edge_index = jax.random.randint(k2, (2, N_EDGES), 0, N_NODES, dtype=jnp.int64)
    return {"user_emb": user_emb, "edge_index": edge_index}


def reference(user_emb, edge_index):
    # DGL: copy_src('feat') messages along 'friend' edges, mean-reduced at dst.
    src = edge_index[0]
    dst = edge_index[1]
    msgs = jnp.take(user_emb, src, axis=0)                    # gather: [E, d]
    summed = jax.ops.segment_sum(msgs, dst, num_segments=N_NODES)  # scatter-add
    deg = jax.ops.segment_sum(jnp.ones((edge_index.shape[1],), dtype=user_emb.dtype),
                              dst, num_segments=N_NODES)
    # DGL mean gives 0 for zero in-degree nodes
    new_feat = summed / jnp.maximum(deg, 1.0)[:, None]
    return new_feat

if __name__ == "__main__":
    import jax
    _d = setup_inputs()
    print(jax.jit(kernel)(*tuple(_d.values())))

</pallas_src>

<mosaic_0001>
#map = affine_map<(d0, d1) -> (0, 0, 0)>
#map1 = affine_map<(d0, d1) -> (0, 0)>
module attributes {stable_mosaic.version = 14 : i64} {
  func.func @_sc_body(%arg0: i32, %arg1: i32, %arg2: memref<2x10000x64xf32, #tpu.memory_space<hbm>>, %arg3: memref<2x320000xi32, #tpu.memory_space<hbm>>, %arg4: memref<128x64xf32, #tpu.memory_space<hbm>>, %arg5: memref<2x10112x64xf32, #tpu.memory_space<hbm>>, %arg6: memref<2x16x10112xf32, #tpu.memory_space<hbm>>, %arg7: memref<20096xi32, #tpu.memory_space<vmem>>, %arg8: memref<20096xi32, #tpu.memory_space<vmem>>, %arg9: memref<128x64xf32, #tpu.memory_space<vmem>>, %arg10: memref<128x64xf32, #tpu.memory_space<vmem>>, %arg11: memref<128x64xf32, #tpu.memory_space<vmem>>, %arg12: memref<128x64xf32, #tpu.memory_space<vmem>>, %arg13: memref<10112xf32, #tpu.memory_space<vmem>>, %arg14: memref<10112x64xf32, #tpu.memory_space<vmem_shared>>, %arg15: memref<!tpu.dma_semaphore, #tpu.memory_space<semaphore_mem>>, %arg16: memref<!tpu.dma_semaphore, #tpu.memory_space<semaphore_mem>>, %arg17: memref<!tpu.dma_semaphore, #tpu.memory_space<semaphore_mem>>, %arg18: memref<!tpu.dma_semaphore, #tpu.memory_space<semaphore_mem>>, %arg19: memref<!tpu.dma_semaphore, #tpu.memory_space<semaphore_mem>>, %arg20: memref<!tpu.dma_semaphore, #tpu.memory_space<semaphore_mem>>) attributes {dimension_semantics = [#tpu.dimension_semantics<core_parallel>, #tpu.dimension_semantics<subcore_parallel>], iteration_bounds = array<i64: 2, 16>, scalar_prefetch = 0 : i64, scratch_operands = 14 : i64, tpu.core_type = #tpu.core_type<sc_vector_subcore>, window_params = [{transform_indices = #map}, {transform_indices = #map1}, {transform_indices = #map1}, {transform_indices = #map}, {transform_indices = #map}]} {
    "tpu.region"() ({
      %run_scoped3A_66 = tpu.sem_alloc : memref<!tpu.dma_semaphore, #tpu.memory_space<semaphore_mem>>
      tpu.enqueue_dma source(%arg4 : memref<128x64xf32, #tpu.memory_space<hbm>>) target(%arg12 : memref<128x64xf32, #tpu.memory_space<vmem>>) target_semaphore(%run_scoped3A_66 : memref<!tpu.dma_semaphore, #tpu.memory_space<semaphore_mem>>)
      tpu.wait_dma2 semaphore(%run_scoped3A_66 : memref<!tpu.dma_semaphore, #tpu.memory_space<semaphore_mem>>) src(%arg4 : memref<128x64xf32, #tpu.memory_space<hbm>>) dst(%arg12 : memref<128x64xf32, #tpu.memory_space<vmem>>)
      tpu.yield
    }) : () -> ()
    %scan3A = arith.constant 0 : i32
    %scan3A_0 = arith.constant 632 : i32
    %scan3A_1 = arith.addi %scan3A, %scan3A_0 : i32
    %scan3A_2 = arith.constant 1 : i32
    scf.for %scan3A_66 = %scan3A to %scan3A_1 step %scan3A_2  : i32 {
      %mul3A_67 = arith.constant 1 : i32
      %mul3A_68 = arith.muli %scan3A_66, %mul3A_67 : i32
      %add3A_69 = arith.constant 0 : i32
      %add3A_70 = arith.addi %add3A_69, %mul3A_68 : i32
      %broadcast_in_dim3A = arith.constant 0.000000e+00 : f32
      %broadcast_in_dim3A_71 = vector.broadcast %broadcast_in_dim3A : f32 to vector<16xf32>
      %mul3A_72 = arith.constant 16 : i32
      %mul3A_73 = arith.muli %add3A_70, %mul3A_72 : i32
      %swap3A = arith.index_cast %mul3A_73 : i32 to index
      %swap3A_74 = tpu.vector_load %arg13[%swap3A] {strides = array<i32>} : memref<10112xf32, #tpu.memory_space<vmem>>, vector<16xf32>,
      tpu.vector_store %arg13[%swap3A], %broadcast_in_dim3A_71 {strides = array<i32>} : memref<10112xf32, #tpu.memory_space<vmem>>, vector<16xf32>,
    }
    %scan3A_3 = arith.constant 632 : i32
    %mul3A = arith.constant 632 : i32
    %mul3A_4 = arith.muli %arg1, %mul3A : i32
    %add3A = arith.constant 0 : i32
    %add3A_5 = arith.addi %mul3A_4, %add3A : i32
    "tpu.region"() ({
      %run_scoped3A_66 = tpu.sem_alloc : memref<!tpu.dma_semaphore, #tpu.memory_space<semaphore_mem>>
      %dma_start3A_67 = arith.constant 0 : i32
      %dma_start3A_68 = tpu.memref_slice %arg14[%add3A_5, %dma_start3A_67] : memref<10112x64xf32, #tpu.memory_space<vmem_shared>> -> memref<128x64xf32, #tpu.memory_space<vmem_shared>>
      %dma_start3A_69 = arith.constant 0 : i32
      %dma_start3A_70 = tpu.memref_slice %arg14[%add3A_5, %dma_start3A_69] : memref<10112x64xf32, #tpu.memory_space<vmem_shared>> -> memref<128x64xf32, #tpu.memory_space<vmem_shared>>
      tpu.enqueue_dma source(%arg12 : memref<128x64xf32, #tpu.memory_space<vmem>>) target(%dma_start3A_70 : memref<128x64xf32, #tpu.memory_space<vmem_shared>>) target_semaphore(%run_scoped3A_66 : memref<!tpu.dma_semaphore, #tpu.memory_space<semaphore_mem>>)
      %dma_wait3A_71 = arith.constant 0 : i32
      %dma_wait3A_72 = tpu.memref_slice %arg14[%add3A_5, %dma_wait3A_71] : memref<10112x64xf32, #tpu.memory_space<vmem_shared>> -> memref<128x64xf32, #tpu.memory_space<vmem_shared>>
      %dma_wait3A_73 = arith.constant 0 : i32
      %dma_wait3A_74 = tpu.memref_slice %arg14[%add3A_5, %dma_wait3A_73] : memref<10112x64xf32, #tpu.memory_space<vmem_shared>> -> memref<128x64xf32, #tpu.memory_space<vmem_shared>>
      tpu.wait_dma2 semaphore(%run_scoped3A_66 : memref<!tpu.dma_semaphore, #tpu.memory_space<semaphore_mem>>) src(%arg12 : memref<128x64xf32, #tpu.memory_space<vmem>>) dst(%dma_wait3A_74 : memref<128x64xf32, #tpu.memory_space<vmem_shared>>)
      tpu.yield
    }) : () -> ()
    %add3A_6 = arith.constant 128 : i32
    %add3A_7 = arith.addi %mul3A_4, %add3A_6 : i32
    "tpu.region"() ({
      %run_scoped3A_66 = tpu.sem_alloc : memref<!tpu.dma_semaphore, #tpu.memory_space<semaphore_mem>>
      %dma_start3A_67 = arith.constant 0 : i32
      %dma_start3A_68 = tpu.memref_slice %arg14[%add3A_7, %dma_start3A_67] : memref<10112x64xf32, #tpu.memory_space<vmem_shared>> -> memref<128x64xf32, #tpu.memory_space<vmem_shared>>
      %dma_start3A_69 = arith.constant 0 : i32
      %dma_start3A_70 = tpu.memref_slice %arg14[%add3A_7, %dma_start3A_69] : memref<10112x64xf32, #tpu.memory_space<vmem_shared>> -> memref<128x64xf32, #tpu.memory_space<vmem_shared>>
      tpu.enqueue_dma source(%arg12 : memref<128x64xf32, #tpu.memory_space<vmem>>) target(%dma_start3A_70 : memref<128x64xf32, #tpu.memory_space<vmem_shared>>) target_semaphore(%run_scoped3A_66 : memref<!tpu.dma_semaphore, #tpu.memory_space<semaphore_mem>>)
      %dma_wait3A_71 = arith.constant 0 : i32
      %dma_wait3A_72 = tpu.memref_slice %arg14[%add3A_7, %dma_wait3A_71] : memref<10112x64xf32, #tpu.memory_space<vmem_shared>> -> memref<128x64xf32, #tpu.memory_space<vmem_shared>>
      %dma_wait3A_73 = arith.constant 0 : i32
      %dma_wait3A_74 = tpu.memref_slice %arg14[%add3A_7, %dma_wait3A_73] : memref<10112x64xf32, #tpu.memory_space<vmem_shared>> -> memref<128x64xf32, #tpu.memory_space<vmem_shared>>
      tpu.wait_dma2 semaphore(%run_scoped3A_66 : memref<!tpu.dma_semaphore, #tpu.memory_space<semaphore_mem>>) src(%arg12 : memref<128x64xf32, #tpu.memory_space<vmem>>) dst(%dma_wait3A_74 : memref<128x64xf32, #tpu.memory_space<vmem_shared>>)
      tpu.yield
    }) : () -> ()
    %add3A_8 = arith.constant 256 : i32
    %add3A_9 = arith.addi %mul3A_4, %add3A_8 : i32
    "tpu.region"() ({
      %run_scoped3A_66 = tpu.sem_alloc : memref<!tpu.dma_semaphore, #tpu.memory_space<semaphore_mem>>
      %dma_start3A_67 = arith.constant 0 : i32
      %dma_start3A_68 = tpu.memref_slice %arg14[%add3A_9, %dma_start3A_67] : memref<10112x64xf32, #tpu.memory_space<vmem_shared>> -> memref<128x64xf32, #tpu.memory_space<vmem_shared>>
      %dma_start3A_69 = arith.constant 0 : i32
      %dma_start3A_70 = tpu.memref_slice %arg14[%add3A_9, %dma_start3A_69] : memref<10112x64xf32, #tpu.memory_space<vmem_shared>> -> memref<128x64xf32, #tpu.memory_space<vmem_shared>>
      tpu.enqueue_dma source(%arg12 : memref<128x64xf32, #tpu.memory_space<vmem>>) target(%dma_start3A_70 : memref<128x64xf32, #tpu.memory_space<vmem_shared>>) target_semaphore(%run_scoped3A_66 : memref<!tpu.dma_semaphore, #tpu.memory_space<semaphore_mem>>)
      %dma_wait3A_71 = arith.constant 0 : i32
      %dma_wait3A_72 = tpu.memref_slice %arg14[%add3A_9, %dma_wait3A_71] : memref<10112x64xf32, #tpu.memory_space<vmem_shared>> -> memref<128x64xf32, #tpu.memory_space<vmem_shared>>
      %dma_wait3A_73 = arith.constant 0 : i32
      %dma_wait3A_74 = tpu.memref_slice %arg14[%add3A_9, %dma_wait3A_73] : memref<10112x64xf32, #tpu.memory_space<vmem_shared>> -> memref<128x64xf32, #tpu.memory_space<vmem_shared>>
      tpu.wait_dma2 semaphore(%run_scoped3A_66 : memref<!tpu.dma_semaphore, #tpu.memory_space<semaphore_mem>>) src(%arg12 : memref<128x64xf32, #tpu.memory_space<vmem>>) dst(%dma_wait3A_74 : memref<128x64xf32, #tpu.memory_space<vmem_shared>>)
      tpu.yield
    }) : () -> ()
    %add3A_10 = arith.constant 384 : i32
    %add3A_11 = arith.addi %mul3A_4, %add3A_10 : i32
    "tpu.region"() ({
      %run_scoped3A_66 = tpu.sem_alloc : memref<!tpu.dma_semaphore, #tpu.memory_space<semaphore_mem>>
      %dma_start3A_67 = arith.constant 0 : i32
      %dma_start3A_68 = tpu.memref_slice %arg14[%add3A_11, %dma_start3A_67] : memref<10112x64xf32, #tpu.memory_space<vmem_shared>> -> memref<128x64xf32, #tpu.memory_space<vmem_shared>>
      %dma_start3A_69 = arith.constant 0 : i32
      %dma_start3A_70 = tpu.memref_slice %arg14[%add3A_11, %dma_start3A_69] : memref<10112x64xf32, #tpu.memory_space<vmem_shared>> -> memref<128x64xf32, #tpu.memory_space<vmem_shared>>
      tpu.enqueue_dma source(%arg12 : memref<128x64xf32, #tpu.memory_space<vmem>>) target(%dma_start3A_70 : memref<128x64xf32, #tpu.memory_space<vmem_shared>>) target_semaphore(%run_scoped3A_66 : memref<!tpu.dma_semaphore, #tpu.memory_space<semaphore_mem>>)
      %dma_wait3A_71 = arith.constant 0 : i32
      %dma_wait3A_72 = tpu.memref_slice %arg14[%add3A_11, %dma_wait3A_71] : memref<10112x64xf32, #tpu.memory_space<vmem_shared>> -> memref<128x64xf32, #tpu.memory_space<vmem_shared>>
      %dma_wait3A_73 = arith.constant 0 : i32
      %dma_wait3A_74 = tpu.memref_slice %arg14[%add3A_11, %dma_wait3A_73] : memref<10112x64xf32, #tpu.memory_space<vmem_shared>> -> memref<128x64xf32, #tpu.memory_space<vmem_shared>>
      tpu.wait_dma2 semaphore(%run_scoped3A_66 : memref<!tpu.dma_semaphore, #tpu.memory_space<semaphore_mem>>) src(%arg12 : memref<128x64xf32, #tpu.memory_space<vmem>>) dst(%dma_wait3A_74 : memref<128x64xf32, #tpu.memory_space<vmem_shared>>)
      tpu.yield
    }) : () -> ()
    %add3A_12 = arith.constant 512 : i32
    %add3A_13 = arith.addi %mul3A_4, %add3A_12 : i32
    "tpu.region"() ({
      %run_scoped3A_66 = tpu.sem_alloc : memref<!tpu.dma_semaphore, #tpu.memory_space<semaphore_mem>>
      %dma_start3A_67 = arith.constant 0 : i32
      %dma_start3A_68 = arith.constant 0 : i32
      %dma_start3A_69 = tpu.memref_slice %arg12[%dma_start3A_67, %dma_start3A_68] : memref<128x64xf32, #tpu.memory_space<vmem>> -> memref<120x64xf32, #tpu.memory_space<vmem>>
      %dma_start3A_70 = arith.constant 0 : i32
      %dma_start3A_71 = tpu.memref_slice %arg14[%add3A_13, %dma_start3A_70] : memref<10112x64xf32, #tpu.memory_space<vmem_shared>> -> memref<120x64xf32, #tpu.memory_space<vmem_shared>>
      %dma_start3A_72 = arith.constant 0 : i32
      %dma_start3A_73 = tpu.memref_slice %arg14[%add3A_13, %dma_start3A_72] : memref<10112x64xf32, #tpu.memory_space<vmem_shared>> -> memref<120x64xf32, #tpu.memory_space<vmem_shared>>
      %dma_start3A_74 = arith.constant 0 : i32
      %dma_start3A_75 = arith.constant 0 : i32
      %dma_start3A_76 = tpu.memref_slice %arg12[%dma_start3A_74, %dma_start3A_75] : memref<128x64xf32, #tpu.memory_space<vmem>> -> memref<120x64xf32, #tpu.memory_space<vmem>>
      tpu.enqueue_dma source(%dma_start3A_76 : memref<120x64xf32, #tpu.memory_space<vmem>>) target(%dma_start3A_73 : memref<120x64xf32, #tpu.memory_space<vmem_shared>>) target_semaphore(%run_scoped3A_66 : memref<!tpu.dma_semaphore, #tpu.memory_space<semaphore_mem>>)
      %dma_wait3A_77 = arith.constant 0 : i32
      %dma_wait3A_78 = arith.constant 0 : i32
      %dma_wait3A_79 = tpu.memref_slice %arg12[%dma_wait3A_77, %dma_wait3A_78] : memref<128x64xf32, #tpu.memory_space<vmem>> -> memref<120x64xf32, #tpu.memory_space<vmem>>
      %dma_wait3A_80 = arith.constant 0 : i32
      %dma_wait3A_81 = tpu.memref_slice %arg14[%add3A_13, %dma_wait3A_80] : memref<10112x64xf32, #tpu.memory_space<vmem_shared>> -> memref<120x64xf32, #tpu.memory_space<vmem_shared>>
      %dma_wait3A_82 = arith.constant 0 : i32
      %dma_wait3A_83 = tpu.memref_slice %arg14[%add3A_13, %dma_wait3A_82] : memref<10112x64xf32, #tpu.memory_space<vmem_shared>> -> memref<120x64xf32, #tpu.memory_space<vmem_shared>>
      %dma_wait3A_84 = arith.constant 0 : i32
      %dma_wait3A_85 = arith.constant 0 : i32
      %dma_wait3A_86 = tpu.memref_slice %arg12[%dma_wait3A_84, %dma_wait3A_85] : memref<128x64xf32, #tpu.memory_space<vmem>> -> memref<120x64xf32, #tpu.memory_space<vmem>>
      tpu.wait_dma2 semaphore(%run_scoped3A_66 : memref<!tpu.dma_semaphore, #tpu.memory_space<semaphore_mem>>) src(%dma_wait3A_86 : memref<120x64xf32, #tpu.memory_space<vmem>>) dst(%dma_wait3A_83 : memref<120x64xf32, #tpu.memory_space<vmem_shared>>)
      tpu.yield
    }) : () -> ()
    %barrier3A = arith.constant 0 : index
    tpu.barrier barrier_id(%barrier3A)
    %mul3A_14 = arith.constant 19968 : i32
    %mul3A_15 = arith.muli %arg1, %mul3A_14 : i32
    %run_scoped3A = arith.constant 0 : i32
    "tpu.region"() ({
      %run_scoped3A_66 = tpu.sem_alloc : memref<!tpu.dma_semaphore, #tpu.memory_space<semaphore_mem>>
      %dma_start3A_67 = arith.constant 0 : i32
      %dma_start3A_68 = tpu.memref_slice %arg7[%dma_start3A_67] : memref<20096xi32, #tpu.memory_space<vmem>> -> memref<19968xi32, #tpu.memory_space<vmem>>
      %dma_start3A_69 = tpu.memref_slice %arg3[%run_scoped3A, %mul3A_15] : memref<2x320000xi32, #tpu.memory_space<hbm>> -> memref<1x19968xi32, #tpu.memory_space<hbm>>
      %dma_start3A_70 = tpu.memref_squeeze %dma_start3A_69 : memref<1x19968xi32, #tpu.memory_space<hbm>> -> memref<19968xi32, #tpu.memory_space<hbm>>
      %dma_start3A_71 = arith.constant 0 : i32
      %dma_start3A_72 = tpu.memref_slice %arg7[%dma_start3A_71] : memref<20096xi32, #tpu.memory_space<vmem>> -> memref<19968xi32, #tpu.memory_space<vmem>>
      %dma_start3A_73 = tpu.memref_slice %arg3[%run_scoped3A, %mul3A_15] : memref<2x320000xi32, #tpu.memory_space<hbm>> -> memref<1x19968xi32, #tpu.memory_space<hbm>>
      %dma_start3A_74 = tpu.memref_squeeze %dma_start3A_73 : memref<1x19968xi32, #tpu.memory_space<hbm>> -> memref<19968xi32, #tpu.memory_space<hbm>>
      tpu.enqueue_dma source(%dma_start3A_74 : memref<19968xi32, #tpu.memory_space<hbm>>) target(%dma_start3A_72 : memref<19968xi32, #tpu.memory_space<vmem>>) target_semaphore(%run_scoped3A_66 : memref<!tpu.dma_semaphore, #tpu.memory_space<semaphore_mem>>)
      %dma_wait3A_75 = arith.constant 0 : i32
      %dma_wait3A_76 = tpu.memref_slice %arg7[%dma_wait3A_75] : memref<20096xi32, #tpu.memory_space<vmem>> -> memref<19968xi32, #tpu.memory_space<vmem>>
      %dma_wait3A_77 = tpu.memref_slice %arg3[%run_scoped3A, %mul3A_15] : memref<2x320000xi32, #tpu.memory_space<hbm>> -> memref<1x19968xi32, #tpu.memory_space<hbm>>
      %dma_wait3A_78 = tpu.memref_squeeze %dma_wait3A_77 : memref<1x19968xi32, #tpu.memory_space<hbm>> -> memref<19968xi32, #tpu.memory_space<hbm>>
      %dma_wait3A_79 = arith.constant 0 : i32
      %dma_wait3A_80 = tpu.memref_slice %arg7[%dma_wait3A_79] : memref<20096xi32, #tpu.memory_space<vmem>> -> memref<19968xi32, #tpu.memory_space<vmem>>
      %dma_wait3A_81 = tpu.memref_slice %arg3[%run_scoped3A, %mul3A_15] : memref<2x320000xi32, #tpu.memory_space<hbm>> -> memref<1x19968xi32, #tpu.memory_space<hbm>>
      %dma_wait3A_82 = tpu.memref_squeeze %dma_wait3A_81 : memref<1x19968xi32, #tpu.memory_space<hbm>> -> memref<19968xi32, #tpu.memory_space<hbm>>
      tpu.wait_dma2 semaphore(%run_scoped3A_66 : memref<!tpu.dma_semaphore, #tpu.memory_space<semaphore_mem>>) src(%dma_wait3A_82 : memref<19968xi32, #tpu.memory_space<hbm>>) dst(%dma_wait3A_80 : memref<19968xi32, #tpu.memory_space<vmem>>)
      tpu.yield
    }) : () -> ()
    %mul3A_16 = arith.constant 19968 : i32
    %mul3A_17 = arith.muli %arg1, %mul3A_16 : i32
    %run_scoped3A_18 = arith.constant 1 : i32
    "tpu.region"() ({
      %run_scoped3A_66 = tpu.sem_alloc : memref<!tpu.dma_semaphore, #tpu.memory_space<semaphore_mem>>
      %dma_start3A_67 = arith.constant 0 : i32
      %dma_start3A_68 = tpu.memref_slice %arg8[%dma_start3A_67] : memref<20096xi32, #tpu.memory_space<vmem>> -> memref<19968xi32, #tpu.memory_space<vmem>>
      %dma_start3A_69 = tpu.memref_slice %arg3[%run_scoped3A_18, %mul3A_17] : memref<2x320000xi32, #tpu.memory_space<hbm>> -> memref<1x19968xi32, #tpu.memory_space<hbm>>
      %dma_start3A_70 = tpu.memref_squeeze %dma_start3A_69 : memref<1x19968xi32, #tpu.memory_space<hbm>> -> memref<19968xi32, #tpu.memory_space<hbm>>
      %dma_start3A_71 = arith.constant 0 : i32
      %dma_start3A_72 = tpu.memref_slice %arg8[%dma_start3A_71] : memref<20096xi32, #tpu.memory_space<vmem>> -> memref<19968xi32, #tpu.memory_space<vmem>>
      %dma_start3A_73 = tpu.memref_slice %arg3[%run_scoped3A_18, %mul3A_17] : memref<2x320000xi32, #tpu.memory_space<hbm>> -> memref<1x19968xi32, #tpu.memory_space<hbm>>
      %dma_start3A_74 = tpu.memref_squeeze %dma_start3A_73 : memref<1x19968xi32, #tpu.memory_space<hbm>> -> memref<19968xi32, #tpu.memory_space<hbm>>
      tpu.enqueue_dma source(%dma_start3A_74 : memref<19968xi32, #tpu.memory_space<hbm>>) target(%dma_start3A_72 : memref<19968xi32, #tpu.memory_space<vmem>>) target_semaphore(%run_scoped3A_66 : memref<!tpu.dma_semaphore, #tpu.memory_space<semaphore_mem>>)
      %dma_wait3A_75 = arith.constant 0 : i32
      %dma_wait3A_76 = tpu.memref_slice %arg8[%dma_wait3A_75] : memref<20096xi32, #tpu.memory_space<vmem>> -> memref<19968xi32, #tpu.memory_space<vmem>>
      %dma_wait3A_77 = tpu.memref_slice %arg3[%run_scoped3A_18, %mul3A_17] : memref<2x320000xi32, #tpu.memory_space<hbm>> -> memref<1x19968xi32, #tpu.memory_space<hbm>>
      %dma_wait3A_78 = tpu.memref_squeeze %dma_wait3A_77 : memref<1x19968xi32, #tpu.memory_space<hbm>> -> memref<19968xi32, #tpu.memory_space<hbm>>
      %dma_wait3A_79 = arith.constant 0 : i32
      %dma_wait3A_80 = tpu.memref_slice %arg8[%dma_wait3A_79] : memref<20096xi32, #tpu.memory_space<vmem>> -> memref<19968xi32, #tpu.memory_space<vmem>>
      %dma_wait3A_81 = tpu.memref_slice %arg3[%run_scoped3A_18, %mul3A_17] : memref<2x320000xi32, #tpu.memory_space<hbm>> -> memref<1x19968xi32, #tpu.memory_space<hbm>>
      %dma_wait3A_82 = tpu.memref_squeeze %dma_wait3A_81 : memref<1x19968xi32, #tpu.memory_space<hbm>> -> memref<19968xi32, #tpu.memory_space<hbm>>
      tpu.wait_dma2 semaphore(%run_scoped3A_66 : memref<!tpu.dma_semaphore, #tpu.memory_space<semaphore_mem>>) src(%dma_wait3A_82 : memref<19968xi32, #tpu.memory_space<hbm>>) dst(%dma_wait3A_80 : memref<19968xi32, #tpu.memory_space<vmem>>)
      tpu.yield
    }) : () -> ()
    %lt3A = arith.constant 4 : i32
    %lt3A_19 = arith.cmpi slt, %arg1, %lt3A : i32
    %convert_element_type3A = arith.extui %lt3A_19 : i1 to i32
    %cond3A = arith.constant 0 : i32
    %cond3A_20 = arith.cmpi ne, %convert_element_type3A, %cond3A : i32
    scf.if %cond3A_20 {
      %mul3A_66 = arith.constant 128 : i32
      %mul3A_67 = arith.muli %arg1, %mul3A_66 : i32
      %add3A_68 = arith.constant 319488 : i32
      %add3A_69 = arith.addi %add3A_68, %mul3A_67 : i32
      %run_scoped3A_70 = arith.constant 0 : i32
      "tpu.region"() ({
        %run_scoped3A_72 = tpu.sem_alloc : memref<!tpu.dma_semaphore, #tpu.memory_space<semaphore_mem>>
        %dma_start3A_73 = arith.constant 19968 : i32
        %dma_start3A_74 = tpu.memref_slice %arg7[%dma_start3A_73] : memref<20096xi32, #tpu.memory_space<vmem>> -> memref<128xi32, #tpu.memory_space<vmem>>
        %dma_start3A_75 = tpu.memref_slice %arg3[%run_scoped3A_70, %add3A_69] : memref<2x320000xi32, #tpu.memory_space<hbm>> -> memref<1x128xi32, #tpu.memory_space<hbm>>
        %dma_start3A_76 = tpu.memref_squeeze %dma_start3A_75 : memref<1x128xi32, #tpu.memory_space<hbm>> -> memref<128xi32, #tpu.memory_space<hbm>>
        %dma_start3A_77 = arith.constant 19968 : i32
        %dma_start3A_78 = tpu.memref_slice %arg7[%dma_start3A_77] : memref<20096xi32, #tpu.memory_space<vmem>> -> memref<128xi32, #tpu.memory_space<vmem>>
        %dma_start3A_79 = tpu.memref_slice %arg3[%run_scoped3A_70, %add3A_69] : memref<2x320000xi32, #tpu.memory_space<hbm>> -> memref<1x128xi32, #tpu.memory_space<hbm>>
        %dma_start3A_80 = tpu.memref_squeeze %dma_start3A_79 : memref<1x128xi32, #tpu.memory_space<hbm>> -> memref<128xi32, #tpu.memory_space<hbm>>
        tpu.enqueue_dma source(%dma_start3A_80 : memref<128xi32, #tpu.memory_space<hbm>>) target(%dma_start3A_78 : memref<128xi32, #tpu.memory_space<vmem>>) target_semaphore(%run_scoped3A_72 : memref<!tpu.dma_semaphore, #tpu.memory_space<semaphore_mem>>)
        %dma_wait3A_81 = arith.constant 19968 : i32
        %dma_wait3A_82 = tpu.memref_slice %arg7[%dma_wait3A_81] : memref<20096xi32, #tpu.memory_space<vmem>> -> memref<128xi32, #tpu.memory_space<vmem>>
        %dma_wait3A_83 = tpu.memref_slice %arg3[%run_scoped3A_70, %add3A_69] : memref<2x320000xi32, #tpu.memory_space<hbm>> -> memref<1x128xi32, #tpu.memory_space<hbm>>
        %dma_wait3A_84 = tpu.memref_squeeze %dma_wait3A_83 : memref<1x128xi32, #tpu.memory_space<hbm>> -> memref<128xi32, #tpu.memory_space<hbm>>
        %dma_wait3A_85 = arith.constant 19968 : i32
        %dma_wait3A_86 = tpu.memref_slice %arg7[%dma_wait3A_85] : memref<20096xi32, #tpu.memory_space<vmem>> -> memref<128xi32, #tpu.memory_space<vmem>>
        %dma_wait3A_87 = tpu.memref_slice %arg3[%run_scoped3A_70, %add3A_69] : memref<2x320000xi32, #tpu.memory_space<hbm>> -> memref<1x128xi32, #tpu.memory_space<hbm>>
        %dma_wait3A_88 = tpu.memref_squeeze %dma_wait3A_87 : memref<1x128xi32, #tpu.memory_space<hbm>> -> memref<128xi32, #tpu.memory_space<hbm>>
        tpu.wait_dma2 semaphore(%run_scoped3A_72 : memref<!tpu.dma_semaphore, #tpu.memory_space<semaphore_mem>>) src(%dma_wait3A_88 : memref<128xi32, #tpu.memory_space<hbm>>) dst(%dma_wait3A_86 : memref<128xi32, #tpu.memory_space<vmem>>)
        tpu.yield
      }) : () -> ()
      %run_scoped3A_71 = arith.constant 1 : i32
      "tpu.region"() ({
        %run_scoped3A_72 = tpu.sem_alloc : memref<!tpu.dma_semaphore, #tpu.memory_space<semaphore_mem>>
        %dma_start3A_73 = arith.constant 19968 : i32
        %dma_start3A_74 = tpu.memref_slice %arg8[%dma_start3A_73] : memref<20096xi32, #tpu.memory_space<vmem>> -> memref<128xi32, #tpu.memory_space<vmem>>
        %dma_start3A_75 = tpu.memref_slice %arg3[%run_scoped3A_71, %add3A_69] : memref<2x320000xi32, #tpu.memory_space<hbm>> -> memref<1x128xi32, #tpu.memory_space<hbm>>
        %dma_start3A_76 = tpu.memref_squeeze %dma_start3A_75 : memref<1x128xi32, #tpu.memory_space<hbm>> -> memref<128xi32, #tpu.memory_space<hbm>>
        %dma_start3A_77 = arith.constant 19968 : i32
        %dma_start3A_78 = tpu.memref_slice %arg8[%dma_start3A_77] : memref<20096xi32, #tpu.memory_space<vmem>> -> memref<128xi32, #tpu.memory_space<vmem>>
        %dma_start3A_79 = tpu.memref_slice %arg3[%run_scoped3A_71, %add3A_69] : memref<2x320000xi32, #tpu.memory_space<hbm>> -> memref<1x128xi32, #tpu.memory_space<hbm>>
        %dma_start3A_80 = tpu.memref_squeeze %dma_start3A_79 : memref<1x128xi32, #tpu.memory_space<hbm>> -> memref<128xi32, #tpu.memory_space<hbm>>
        tpu.enqueue_dma source(%dma_start3A_80 : memref<128xi32, #tpu.memory_space<hbm>>) target(%dma_start3A_78 : memref<128xi32, #tpu.memory_space<vmem>>) target_semaphore(%run_scoped3A_72 : memref<!tpu.dma_semaphore, #tpu.memory_space<semaphore_mem>>)
        %dma_wait3A_81 = arith.constant 19968 : i32
        %dma_wait3A_82 = tpu.memref_slice %arg8[%dma_wait3A_81] : memref<20096xi32, #tpu.memory_space<vmem>> -> memref<128xi32, #tpu.memory_space<vmem>>
        %dma_wait3A_83 = tpu.memref_slice %arg3[%run_scoped3A_71, %add3A_69] : memref<2x320000xi32, #tpu.memory_space<hbm>> -> memref<1x128xi32, #tpu.memory_space<hbm>>
        %dma_wait3A_84 = tpu.memref_squeeze %dma_wait3A_83 : memref<1x128xi32, #tpu.memory_space<hbm>> -> memref<128xi32, #tpu.memory_space<hbm>>
        %dma_wait3A_85 = arith.constant 19968 : i32
        %dma_wait3A_86 = tpu.memref_slice %arg8[%dma_wait3A_85] : memref<20096xi32, #tpu.memory_space<vmem>> -> memref<128xi32, #tpu.memory_space<vmem>>
        %dma_wait3A_87 = tpu.memref_slice %arg3[%run_scoped3A_71, %add3A_69] : memref<2x320000xi32, #tpu.memory_space<hbm>> -> memref<1x128xi32, #tpu.memory_space<hbm>>
        %dma_wait3A_88 = tpu.memref_squeeze %dma_wait3A_87 : memref<1x128xi32, #tpu.memory_space<hbm>> -> memref<128xi32, #tpu.memory_space<hbm>>
        tpu.wait_dma2 semaphore(%run_scoped3A_72 : memref<!tpu.dma_semaphore, #tpu.memory_space<semaphore_mem>>) src(%dma_wait3A_88 : memref<128xi32, #tpu.memory_space<hbm>>) dst(%dma_wait3A_86 : memref<128xi32, #tpu.memory_space<vmem>>)
        tpu.yield
      }) : () -> ()
    } else {
    }
    %lt3A_21 = arith.constant 4 : i32
    %lt3A_22 = arith.cmpi slt, %arg1, %lt3A_21 : i32
    %jit3A = arith.constant 157 : i32
    %jit3A_23 = arith.constant 156 : i32
    %select_n3A = arith.select %lt3A_22, %jit3A, %jit3A_23 : i32
    %dma_start3A = arith.constant 0 : i32
    %dma_start3A_24 = tpu.memref_slice %arg7[%dma_start3A] : memref<20096xi32, #tpu.memory_space<vmem>> -> memref<128xi32, #tpu.memory_space<vmem>>
    %dma_start3A_25 = arith.constant 0 : i32
    %dma_start3A_26 = arith.constant 0 : i32
    %dma_start3A_27 = tpu.memref_slice %arg2[%arg0, %dma_start3A_25, %dma_start3A_26] : memref<2x10000x64xf32, #tpu.memory_space<hbm>> -> memref<1x10000x64xf32, #tpu.memory_space<hbm>>
    %dma_start3A_28 = tpu.memref_squeeze %dma_start3A_27 : memref<1x10000x64xf32, #tpu.memory_space<hbm>> -> memref<10000x64xf32, #tpu.memory_space<hbm>>
    %dma_start3A_29 = arith.constant 0 : i32
    %dma_start3A_30 = arith.constant 0 : i32
    %dma_start3A_31 = tpu.memref_slice %dma_start3A_28[%dma_start3A_29, %dma_start3A_30] : memref<10000x64xf32, #tpu.memory_space<hbm>> -> memref<10000x64xf32, #tpu.memory_space<hbm>>
    tpu.enqueue_indirect_dma source(%dma_start3A_31 : memref<10000x64xf32, #tpu.memory_space<hbm>>) target(%arg9 : memref<128x64xf32, #tpu.memory_space<vmem>>) offsets(%dma_start3A_24 : memref<128xi32, #tpu.memory_space<vmem>>) semaphore(%arg15 : memref<!tpu.dma_semaphore, #tpu.memory_space<semaphore_mem>>)
    %dma_start3A_32 = arith.constant 128 : i32
    %dma_start3A_33 = tpu.memref_slice %arg7[%dma_start3A_32] : memref<20096xi32, #tpu.memory_space<vmem>> -> memref<128xi32, #tpu.memory_space<vmem>>
    %dma_start3A_34 = arith.constant 0 : i32
    %dma_start3A_35 = arith.constant 0 : i32
    %dma_start3A_36 = tpu.memref_slice %arg2[%arg0, %dma_start3A_34, %dma_start3A_35] : memref<2x10000x64xf32, #tpu.memory_space<hbm>> -> memref<1x10000x64xf32, #tpu.memory_space<hbm>>
    %dma_start3A_37 = tpu.memref_squeeze %dma_start3A_36 : memref<1x10000x64xf32, #tpu.memory_space<hbm>> -> memref<10000x64xf32, #tpu.memory_space<hbm>>
    %dma_start3A_38 = arith.constant 0 : i32
    %dma_start3A_39 = arith.constant 0 : i32
    %dma_start3A_40 = tpu.memref_slice %dma_start3A_37[%dma_start3A_38, %dma_start3A_39] : memref<10000x64xf32, #tpu.memory_space<hbm>> -> memref<10000x64xf32, #tpu.memory_space<hbm>>
    tpu.enqueue_indirect_dma source(%dma_start3A_40 : memref<10000x64xf32, #tpu.memory_space<hbm>>) target(%arg10 : memref<128x64xf32, #tpu.memory_space<vmem>>) offsets(%dma_start3A_33 : memref<128xi32, #tpu.memory_space<vmem>>) semaphore(%arg16 : memref<!tpu.dma_semaphore, #tpu.memory_space<semaphore_mem>>)
    %scan3A_41 = arith.constant 0 : i32
    %scan3A_42 = arith.constant 52 : i32
    %scan3A_43 = arith.addi %scan3A_41, %scan3A_42 : i32
    %scan3A_44 = arith.constant 1 : i32
    scf.for %scan3A_66 = %scan3A_41 to %scan3A_43 step %scan3A_44  : i32 {
      %mul3A_67 = arith.constant 1 : i32
      %mul3A_68 = arith.muli %scan3A_66, %mul3A_67 : i32
      %add3A_69 = arith.constant 0 : i32
      %add3A_70 = arith.addi %add3A_69, %mul3A_68 : i32
      %mul3A_71 = arith.constant 3 : i32
      %mul3A_72 = arith.muli %mul3A_71, %add3A_70 : i32
      %add3A_73 = arith.constant 0 : i32
      %add3A_74 = arith.addi %mul3A_72, %add3A_73 : i32
      %mul3A_75 = arith.constant 128 : i32
      %mul3A_76 = arith.muli %add3A_74, %mul3A_75 : i32
      %dma_wait3A_77 = tpu.memref_slice %arg7[%mul3A_76] : memref<20096xi32, #tpu.memory_space<vmem>> -> memref<128xi32, #tpu.memory_space<vmem>>
      %dma_wait3A_78 = arith.constant 0 : i32
      %dma_wait3A_79 = arith.constant 0 : i32
      %dma_wait3A_80 = tpu.memref_slice %arg2[%arg0, %dma_wait3A_78, %dma_wait3A_79] : memref<2x10000x64xf32, #tpu.memory_space<hbm>> -> memref<1x10000x64xf32, #tpu.memory_space<hbm>>
      %dma_wait3A_81 = tpu.memref_squeeze %dma_wait3A_80 : memref<1x10000x64xf32, #tpu.memory_space<hbm>> -> memref<10000x64xf32, #tpu.memory_space<hbm>>
      %dma_wait3A_82 = arith.constant 0 : i32
      %dma_wait3A_83 = arith.constant 0 : i32
      %dma_wait3A_84 = tpu.memref_slice %dma_wait3A_81[%dma_wait3A_82, %dma_wait3A_83] : memref<10000x64xf32, #tpu.memory_space<hbm>> -> memref<10000x64xf32, #tpu.memory_space<hbm>>
      tpu.wait_indirect_dma semaphore(%arg15 : memref<!tpu.dma_semaphore, #tpu.memory_space<semaphore_mem>>) src(%dma_wait3A_84 : memref<10000x64xf32, #tpu.memory_space<hbm>>) dst(%arg9 : memref<128x64xf32, #tpu.memory_space<vmem>>)
      %mul3A_85 = arith.constant 128 : i32
      %mul3A_86 = arith.muli %add3A_74, %mul3A_85 : i32
      %dma_start3A_87 = tpu.memref_slice %arg8[%mul3A_86] : memref<20096xi32, #tpu.memory_space<vmem>> -> memref<128xi32, #tpu.memory_space<vmem>>
      %dma_start3A_88 = arith.constant 0 : i32
      %dma_start3A_89 = arith.constant 0 : i32
      %dma_start3A_90 = tpu.memref_slice %arg14[%dma_start3A_88, %dma_start3A_89] : memref<10112x64xf32, #tpu.memory_space<vmem_shared>> -> memref<10112x64xf32, #tpu.memory_space<vmem_shared>>
      tpu.enqueue_indirect_dma source(%arg9 : memref<128x64xf32, #tpu.memory_space<vmem>>) target(%dma_start3A_90 : memref<10112x64xf32, #tpu.memory_space<vmem_shared>>) offsets(%dma_start3A_87 : memref<128xi32, #tpu.memory_space<vmem>>) semaphore(%arg18 : memref<!tpu.dma_semaphore, #tpu.memory_space<semaphore_mem>>) {add = true}
      %eq3A = arith.constant 0 : i32
      %eq3A_91 = arith.cmpi eq, %arg0, %eq3A : i32
      %convert_element_type3A_92 = arith.extui %eq3A_91 : i1 to i32
      %cond3A_93 = arith.constant 0 : i32
      %cond3A_94 = arith.cmpi ne, %convert_element_type3A_92, %cond3A_93 : i32
      scf.if %cond3A_94 {
        %broadcast_in_dim3A = arith.constant 1.000000e+00 : f32
        %broadcast_in_dim3A_163 = vector.broadcast %broadcast_in_dim3A : f32 to vector<16xf32>
        %mul3A_164 = arith.constant 128 : i32
        %mul3A_165 = arith.muli %add3A_74, %mul3A_164 : i32
        %add3A_166 = arith.constant 0 : i32
        %add3A_167 = arith.addi %mul3A_165, %add3A_166 : i32
        %get3A = arith.index_cast %add3A_167 : i32 to index
        %get3A_168 = tpu.vector_load %arg8[%get3A] {strides = array<i32>} : memref<20096xi32, #tpu.memory_space<vmem>>, vector<16xi32>,
        tpu.vector_store_idx %arg13[%get3A_168], %broadcast_in_dim3A_163 {add = true} : memref<10112xf32, #tpu.memory_space<vmem>>[vector<16xi32>], vector<16xf32>,
        %mul3A_169 = arith.constant 128 : i32
        %mul3A_170 = arith.muli %add3A_74, %mul3A_169 : i32
        %add3A_171 = arith.constant 16 : i32
        %add3A_172 = arith.addi %mul3A_170, %add3A_171 : i32
        %get3A_173 = arith.index_cast %add3A_172 : i32 to index
        %get3A_174 = tpu.vector_load %arg8[%get3A_173] {strides = array<i32>} : memref<20096xi32, #tpu.memory_space<vmem>>, vector<16xi32>,
        tpu.vector_store_idx %arg13[%get3A_174], %broadcast_in_dim3A_163 {add = true} : memref<10112xf32, #tpu.memory_space<vmem>>[vector<16xi32>], vector<16xf32>,
        %mul3A_175 = arith.constant 128 : i32
        %mul3A_176 = arith.muli %add3A_74, %mul3A_175 : i32
        %add3A_177 = arith.constant 32 : i32
        %add3A_178 = arith.addi %mul3A_176, %add3A_177 : i32
        %get3A_179 = arith.index_cast %add3A_178 : i32 to index
        %get3A_180 = tpu.vector_load %arg8[%get3A_179] {strides = array<i32>} : memref<20096xi32, #tpu.memory_space<vmem>>, vector<16xi32>,
        tpu.vector_store_idx %arg13[%get3A_180], %broadcast_in_dim3A_163 {add = true} : memref<10112xf32, #tpu.memory_space<vmem>>[vector<16xi32>], vector<16xf32>,
        %mul3A_181 = arith.constant 128 : i32
        %mul3A_182 = arith.muli %add3A_74, %mul3A_181 : i32
        %add3A_183 = arith.constant 48 : i32
        %add3A_184 = arith.addi %mul3A_182, %add3A_183 : i32
        %get3A_185 = arith.index_cast %add3A_184 : i32 to index
        %get3A_186 = tpu.vector_load %arg8[%get3A_185] {strides = array<i32>} : memref<20096xi32, #tpu.memory_space<vmem>>, vector<16xi32>,
        tpu.vector_store_idx %arg13[%get3A_186], %broadcast_in_dim3A_163 {add = true} : memref<10112xf32, #tpu.memory_space<vmem>>[vector<16xi32>], vector<16xf32>,
        %mul3A_187 = arith.constant 128 : i32
        %mul3A_188 = arith.muli %add3A_74, %mul3A_187 : i32
        %add3A_189 = arith.constant 64 : i32
        %add3A_190 = arith.addi %mul3A_188, %add3A_189 : i32
        %get3A_191 = arith.index_cast %add3A_190 : i32 to index
        %get3A_192 = tpu.vector_load %arg8[%get3A_191] {strides = array<i32>} : memref<20096xi32, #tpu.memory_space<vmem>>, vector<16xi32>,
        tpu.vector_store_idx %arg13[%get3A_192], %broadcast_in_dim3A_163 {add = true} : memref<10112xf32, #tpu.memory_space<vmem>>[vector<16xi32>], vector<16xf32>,
        %mul3A_193 = arith.constant 128 : i32
        %mul3A_194 = arith.muli %add3A_74, %mul3A_193 : i32
        %add3A_195 = arith.constant 80 : i32
        %add3A_196 = arith.addi %mul3A_194, %add3A_195 : i32
        %get3A_197 = arith.index_cast %add3A_196 : i32 to index
        %get3A_198 = tpu.vector_load %arg8[%get3A_197] {strides = array<i32>} : memref<20096xi32, #tpu.memory_space<vmem>>, vector<16xi32>,
        tpu.vector_store_idx %arg13[%get3A_198], %broadcast_in_dim3A_163 {add = true} : memref<10112xf32, #tpu.memory_space<vmem>>[vector<16xi32>], vector<16xf32>,
        %mul3A_199 = arith.constant 128 : i32
        %mul3A_200 = arith.muli %add3A_74, %mul3A_199 : i32
        %add3A_201 = arith.constant 96 : i32
        %add3A_202 = arith.addi %mul3A_200, %add3A_201 : i32
        %get3A_203 = arith.index_cast %add3A_202 : i32 to index
        %get3A_204 = tpu.vector_load %arg8[%get3A_203] {strides = array<i32>} : memref<20096xi32, #tpu.memory_space<vmem>>, vector<16xi32>,
        tpu.vector_store_idx %arg13[%get3A_204], %broadcast_in_dim3A_163 {add = true} : memref<10112xf32, #tpu.memory_space<vmem>>[vector<16xi32>], vector<16xf32>,
        %mul3A_205 = arith.constant 128 : i32
        %mul3A_206 = arith.muli %add3A_74, %mul3A_205 : i32
        %add3A_207 = arith.constant 112 : i32
        %add3A_208 = arith.addi %mul3A_206, %add3A_207 : i32
        %get3A_209 = arith.index_cast %add3A_208 : i32 to index
        %get3A_210 = tpu.vector_load %arg8[%get3A_209] {strides = array<i32>} : memref<20096xi32, #tpu.memory_space<vmem>>, vector<16xi32>,
        tpu.vector_store_idx %arg13[%get3A_210], %broadcast_in_dim3A_163 {add = true} : memref<10112xf32, #tpu.memory_space<vmem>>[vector<16xi32>], vector<16xf32>,
      } else {
      }
      %add3A_95 = arith.constant 2 : i32
      %add3A_96 = arith.addi %add3A_74, %add3A_95 : i32
      %lt3A_97 = arith.cmpi slt, %add3A_96, %select_n3A : i32
      %convert_element_type3A_98 = arith.extui %lt3A_97 : i1 to i32
      %cond3A_99 = arith.constant 0 : i32
      %cond3A_100 = arith.cmpi ne, %convert_element_type3A_98, %cond3A_99 : i32
      scf.if %cond3A_100 {
        %ge3A = arith.constant 1 : i32
        %ge3A_163 = arith.cmpi sge, %add3A_74, %ge3A : i32
        %convert_element_type3A_164 = arith.extui %ge3A_163 : i1 to i32
        %cond3A_165 = arith.constant 0 : i32
        %cond3A_166 = arith.cmpi ne, %convert_element_type3A_164, %cond3A_165 : i32
        scf.if %cond3A_166 {
          %dma_wait3A_179 = arith.constant 0 : i32
          %dma_wait3A_180 = tpu.memref_slice %arg8[%dma_wait3A_179] : memref<20096xi32, #tpu.memory_space<vmem>> -> memref<128xi32, #tpu.memory_space<vmem>>
          %dma_wait3A_181 = arith.constant 0 : i32
          %dma_wait3A_182 = arith.constant 0 : i32
          %dma_wait3A_183 = tpu.memref_slice %arg14[%dma_wait3A_181, %dma_wait3A_182] : memref<10112x64xf32, #tpu.memory_space<vmem_shared>> -> memref<10112x64xf32, #tpu.memory_space<vmem_shared>>
          tpu.wait_indirect_dma semaphore(%arg20 : memref<!tpu.dma_semaphore, #tpu.memory_space<semaphore_mem>>) src(%arg11 : memref<128x64xf32, #tpu.memory_space<vmem>>) dst(%dma_wait3A_183 : memref<10112x64xf32, #tpu.memory_space<vmem_shared>>)
        } else {
        }
        %add3A_167 = arith.constant 2 : i32
        %add3A_168 = arith.addi %add3A_74, %add3A_167 : i32
        %mul3A_169 = arith.constant 128 : i32
        %mul3A_170 = arith.muli %add3A_168, %mul3A_169 : i32
        %dma_start3A_171 = tpu.memref_slice %arg7[%mul3A_170] : memref<20096xi32, #tpu.memory_space<vmem>> -> memref<128xi32, #tpu.memory_space<vmem>>
        %dma_start3A_172 = arith.constant 0 : i32
        %dma_start3A_173 = arith.constant 0 : i32
        %dma_start3A_174 = tpu.memref_slice %arg2[%arg0, %dma_start3A_172, %dma_start3A_173] : memref<2x10000x64xf32, #tpu.memory_space<hbm>> -> memref<1x10000x64xf32, #tpu.memory_space<hbm>>
        %dma_start3A_175 = tpu.memref_squeeze %dma_start3A_174 : memref<1x10000x64xf32, #tpu.memory_space<hbm>> -> memref<10000x64xf32, #tpu.memory_space<hbm>>
        %dma_start3A_176 = arith.constant 0 : i32
        %dma_start3A_177 = arith.constant 0 : i32
        %dma_start3A_178 = tpu.memref_slice %dma_start3A_175[%dma_start3A_176, %dma_start3A_177] : memref<10000x64xf32, #tpu.memory_space<hbm>> -> memref<10000x64xf32, #tpu.memory_space<hbm>>
        tpu.enqueue_indirect_dma source(%dma_start3A_178 : memref<10000x64xf32, #tpu.memory_space<hbm>>) target(%arg11 : memref<128x64xf32, #tpu.memory_space<vmem>>) offsets(%dma_start3A_171 : memref<128xi32, #tpu.memory_space<vmem>>) semaphore(%arg17 : memref<!tpu.dma_semaphore, #tpu.memory_space<semaphore_mem>>)
      } else {
      }
      %mul3A_101 = arith.constant 3 : i32
      %mul3A_102 = arith.muli %mul3A_101, %add3A_70 : i32
      %add3A_103 = arith.constant 1 : i32
      %add3A_104 = arith.addi %mul3A_102, %add3A_103 : i32
      %mul3A_105 = arith.constant 128 : i32
      %mul3A_106 = arith.muli %add3A_104, %mul3A_105 : i32
      %dma_wait3A_107 = tpu.memref_slice %arg7[%mul3A_106] : memref<20096xi32, #tpu.memory_space<vmem>> -> memref<128xi32, #tpu.memory_space<vmem>>
      %dma_wait3A_108 = arith.constant 0 : i32
      %dma_wait3A_109 = arith.constant 0 : i32
      %dma_wait3A_110 = tpu.memref_slice %arg2[%arg0, %dma_wait3A_108, %dma_wait3A_109] : memref<2x10000x64xf32, #tpu.memory_space<hbm>> -> memref<1x10000x64xf32, #tpu.memory_space<hbm>>
      %dma_wait3A_111 = tpu.memref_squeeze %dma_wait3A_110 : memref<1x10000x64xf32, #tpu.memory_space<hbm>> -> memref<10000x64xf32, #tpu.memory_space<hbm>>
      %dma_wait3A_112 = arith.constant 0 : i32
      %dma_wait3A_113 = arith.constant 0 : i32
      %dma_wait3A_114 = tpu.memref_slice %dma_wait3A_111[%dma_wait3A_112, %dma_wait3A_113] : memref<10000x64xf32, #tpu.memory_space<hbm>> -> memref<10000x64xf32, #tpu.memory_space<hbm>>
      tpu.wait_indirect_dma semaphore(%arg16 : memref<!tpu.dma_semaphore, #tpu.memory_space<semaphore_mem>>) src(%dma_wait3A_114 : memref<10000x64xf32, #tpu.memory_space<hbm>>) dst(%arg10 : memref<128x64xf32, #tpu.memory_space<vmem>>)
      %mul3A_115 = arith.constant 128 : i32
      %mul3A_116 = arith.muli %add3A_104, %mul3A_115 : i32
      %dma_start3A_117 = tpu.memref_slice %arg8[%mul3A_116] : memref<20096xi32, #tpu.memory_space<vmem>> -> memref<128xi32, #tpu.memory_space<vmem>>
      %dma_start3A_118 = arith.constant 0 : i32
      %dma_start3A_119 = arith.constant 0 : i32
      %dma_start3A_120 = tpu.memref_slice %arg14[%dma_start3A_118, %dma_start3A_119] : memref<10112x64xf32, #tpu.memory_space<vmem_shared>> -> memref<10112x64xf32, #tpu.memory_space<vmem_shared>>
      tpu.enqueue_indirect_dma source(%arg10 : memref<128x64xf32, #tpu.memory_space<vmem>>) target(%dma_start3A_120 : memref<10112x64xf32, #tpu.memory_space<vmem_shared>>) offsets(%dma_start3A_117 : memref<128xi32, #tpu.memory_space<vmem>>) semaphore(%arg19 : memref<!tpu.dma_semaphore, #tpu.memory_space<semaphore_mem>>) {add = true}
      %eq3A_121 = arith.constant 1 : i32
      %eq3A_122 = arith.cmpi eq, %arg0, %eq3A_121 : i32
      %convert_element_type3A_123 = arith.extui %eq3A_122 : i1 to i32
      %cond3A_124 = arith.constant 0 : i32
      %cond3A_125 = arith.cmpi ne, %convert_element_type3A_123, %cond3A_124 : i32
      scf.if %cond3A_125 {
        %broadcast_in_dim3A = arith.constant 1.000000e+00 : f32
        %broadcast_in_dim3A_163 = vector.broadcast %broadcast_in_dim3A : f32 to vector<16xf32>
        %mul3A_164 = arith.constant 128 : i32
        %mul3A_165 = arith.muli %add3A_104, %mul3A_164 : i32
        %add3A_166 = arith.constant 0 : i32
        %add3A_167 = arith.addi %mul3A_165, %add3A_166 : i32
        %get3A = arith.index_cast %add3A_167 : i32 to index
        %get3A_168 = tpu.vector_load %arg8[%get3A] {strides = array<i32>} : memref<20096xi32, #tpu.memory_space<vmem>>, vector<16xi32>,
        tpu.vector_store_idx %arg13[%get3A_168], %broadcast_in_dim3A_163 {add = true} : memref<10112xf32, #tpu.memory_space<vmem>>[vector<16xi32>], vector<16xf32>,
        %mul3A_169 = arith.constant 128 : i32
        %mul3A_170 = arith.muli %add3A_104, %mul3A_169 : i32
        %add3A_171 = arith.constant 16 : i32
        %add3A_172 = arith.addi %mul3A_170, %add3A_171 : i32
        %get3A_173 = arith.index_cast %add3A_172 : i32 to index
        %get3A_174 = tpu.vector_load %arg8[%get3A_173] {strides = array<i32>} : memref<20096xi32, #tpu.memory_space<vmem>>, vector<16xi32>,
        tpu.vector_store_idx %arg13[%get3A_174], %broadcast_in_dim3A_163 {add = true} : memref<10112xf32, #tpu.memory_space<vmem>>[vector<16xi32>], vector<16xf32>,
        %mul3A_175 = arith.constant 128 : i32
        %mul3A_176 = arith.muli %add3A_104, %mul3A_175 : i32
        %add3A_177 = arith.constant 32 : i32
        %add3A_178 = arith.addi %mul3A_176, %add3A_177 : i32
        %get3A_179 = arith.index_cast %add3A_178 : i32 to index
        %get3A_180 = tpu.vector_load %arg8[%get3A_179] {strides = array<i32>} : memref<20096xi32, #tpu.memory_space<vmem>>, vector<16xi32>,
        tpu.vector_store_idx %arg13[%get3A_180], %broadcast_in_dim3A_163 {add = true} : memref<10112xf32, #tpu.memory_space<vmem>>[vector<16xi32>], vector<16xf32>,
        %mul3A_181 = arith.constant 128 : i32
        %mul3A_182 = arith.muli %add3A_104, %mul3A_181 : i32
        %add3A_183 = arith.constant 48 : i32
        %add3A_184 = arith.addi %mul3A_182, %add3A_183 : i32
        %get3A_185 = arith.index_cast %add3A_184 : i32 to index
        %get3A_186 = tpu.vector_load %arg8[%get3A_185] {strides = array<i32>} : memref<20096xi32, #tpu.memory_space<vmem>>, vector<16xi32>,
        tpu.vector_store_idx %arg13[%get3A_186], %broadcast_in_dim3A_163 {add = true} : memref<10112xf32, #tpu.memory_space<vmem>>[vector<16xi32>], vector<16xf32>,
        %mul3A_187 = arith.constant 128 : i32
        %mul3A_188 = arith.muli %add3A_104, %mul3A_187 : i32
        %add3A_189 = arith.constant 64 : i32
        %add3A_190 = arith.addi %mul3A_188, %add3A_189 : i32
        %get3A_191 = arith.index_cast %add3A_190 : i32 to index
        %get3A_192 = tpu.vector_load %arg8[%get3A_191] {strides = array<i32>} : memref<20096xi32, #tpu.memory_space<vmem>>, vector<16xi32>,
        tpu.vector_store_idx %arg13[%get3A_192], %broadcast_in_dim3A_163 {add = true} : memref<10112xf32, #tpu.memory_space<vmem>>[vector<16xi32>], vector<16xf32>,
        %mul3A_193 = arith.constant 128 : i32
        %mul3A_194 = arith.muli %add3A_104, %mul3A_193 : i32
        %add3A_195 = arith.constant 80 : i32
        %add3A_196 = arith.addi %mul3A_194, %add3A_195 : i32
        %get3A_197 = arith.index_cast %add3A_196 : i32 to index
        %get3A_198 = tpu.vector_load %arg8[%get3A_197] {strides = array<i32>} : memref<20096xi32, #tpu.memory_space<vmem>>, vector<16xi32>,
        tpu.vector_store_idx %arg13[%get3A_198], %broadcast_in_dim3A_163 {add = true} : memref<10112xf32, #tpu.memory_space<vmem>>[vector<16xi32>], vector<16xf32>,
        %mul3A_199 = arith.constant 128 : i32
        %mul3A_200 = arith.muli %add3A_104, %mul3A_199 : i32
        %add3A_201 = arith.constant 96 : i32
        %add3A_202 = arith.addi %mul3A_200, %add3A_201 : i32
        %get3A_203 = arith.index_cast %add3A_202 : i32 to index
        %get3A_204 = tpu.vector_load %arg8[%get3A_203] {strides = array<i32>} : memref<20096xi32, #tpu.memory_space<vmem>>, vector<16xi32>,
        tpu.vector_store_idx %arg13[%get3A_204], %broadcast_in_dim3A_163 {add = true} : memref<10112xf32, #tpu.memory_space<vmem>>[vector<16xi32>], vector<16xf32>,
        %mul3A_205 = arith.constant 128 : i32
        %mul3A_206 = arith.muli %add3A_104, %mul3A_205 : i32
        %add3A_207 = arith.constant 112 : i32
        %add3A_208 = arith.addi %mul3A_206, %add3A_207 : i32
        %get3A_209 = arith.index_cast %add3A_208 : i32 to index
        %get3A_210 = tpu.vector_load %arg8[%get3A_209] {strides = array<i32>} : memref<20096xi32, #tpu.memory_space<vmem>>, vector<16xi32>,
        tpu.vector_store_idx %arg13[%get3A_210], %broadcast_in_dim3A_163 {add = true} : memref<10112xf32, #tpu.memory_space<vmem>>[vector<16xi32>], vector<16xf32>,
      } else {
      }
      %add3A_126 = arith.constant 2 : i32
      %add3A_127 = arith.addi %add3A_104, %add3A_126 : i32
      %lt3A_128 = arith.cmpi slt, %add3A_127, %select_n3A : i32
      %convert_element_type3A_129 = arith.extui %lt3A_128 : i1 to i32
      %cond3A_130 = arith.constant 0 : i32
      %cond3A_131 = arith.cmpi ne, %convert_element_type3A_129, %cond3A_130 : i32
      scf.if %cond3A_131 {
        %ge3A = arith.constant 1 : i32
        %ge3A_163 = arith.cmpi sge, %add3A_104, %ge3A : i32
        %convert_element_type3A_164 = arith.extui %ge3A_163 : i1 to i32
        %cond3A_165 = arith.constant 0 : i32
        %cond3A_166 = arith.cmpi ne, %convert_element_type3A_164, %cond3A_165 : i32
        scf.if %cond3A_166 {
          %dma_wait3A_179 = arith.constant 0 : i32
          %dma_wait3A_180 = tpu.memref_slice %arg8[%dma_wait3A_179] : memref<20096xi32, #tpu.memory_space<vmem>> -> memref<128xi32, #tpu.memory_space<vmem>>
          %dma_wait3A_181 = arith.constant 0 : i32
          %dma_wait3A_182 = arith.constant 0 : i32
          %dma_wait3A_183 = tpu.memref_slice %arg14[%dma_wait3A_181, %dma_wait3A_182] : memref<10112x64xf32, #tpu.memory_space<vmem_shared>> -> memref<10112x64xf32, #tpu.memory_space<vmem_shared>>
          tpu.wait_indirect_dma semaphore(%arg18 : memref<!tpu.dma_semaphore, #tpu.memory_space<semaphore_mem>>) src(%arg9 : memref<128x64xf32, #tpu.memory_space<vmem>>) dst(%dma_wait3A_183 : memref<10112x64xf32, #tpu.memory_space<vmem_shared>>)
        } else {
        }
        %add3A_167 = arith.constant 2 : i32
        %add3A_168 = arith.addi %add3A_104, %add3A_167 : i32
        %mul3A_169 = arith.constant 128 : i32
        %mul3A_170 = arith.muli %add3A_168, %mul3A_169 : i32
        %dma_start3A_171 = tpu.memref_slice %arg7[%mul3A_170] : memref<20096xi32, #tpu.memory_space<vmem>> -> memref<128xi32, #tpu.memory_space<vmem>>
        %dma_start3A_172 = arith.constant 0 : i32
        %dma_start3A_173 = arith.constant 0 : i32
        %dma_start3A_174 = tpu.memref_slice %arg2[%arg0, %dma_start3A_172, %dma_start3A_173] : memref<2x10000x64xf32, #tpu.memory_space<hbm>> -> memref<1x10000x64xf32, #tpu.memory_space<hbm>>
        %dma_start3A_175 = tpu.memref_squeeze %dma_start3A_174 : memref<1x10000x64xf32, #tpu.memory_space<hbm>> -> memref<10000x64xf32, #tpu.memory_space<hbm>>
        %dma_start3A_176 = arith.constant 0 : i32
        %dma_start3A_177 = arith.constant 0 : i32
        %dma_start3A_178 = tpu.memref_slice %dma_start3A_175[%dma_start3A_176, %dma_start3A_177] : memref<10000x64xf32, #tpu.memory_space<hbm>> -> memref<10000x64xf32, #tpu.memory_space<hbm>>
        tpu.enqueue_indirect_dma source(%dma_start3A_178 : memref<10000x64xf32, #tpu.memory_space<hbm>>) target(%arg9 : memref<128x64xf32, #tpu.memory_space<vmem>>) offsets(%dma_start3A_171 : memref<128xi32, #tpu.memory_space<vmem>>) semaphore(%arg15 : memref<!tpu.dma_semaphore, #tpu.memory_space<semaphore_mem>>)
      } else {
      }
      %mul3A_132 = arith.constant 3 : i32
      %mul3A_133 = arith.muli %mul3A_132, %add3A_70 : i32
      %add3A_134 = arith.constant 2 : i32
      %add3A_135 = arith.addi %mul3A_133, %add3A_134 : i32
      %mul3A_136 = arith.constant 128 : i32
      %mul3A_137 = arith.muli %add3A_135, %mul3A_136 : i32
      %dma_wait3A_138 = tpu.memref_slice %arg7[%mul3A_137] : memref<20096xi32, #tpu.memory_space<vmem>> -> memref<128xi32, #tpu.memory_space<vmem>>
      %dma_wait3A_139 = arith.constant 0 : i32
      %dma_wait3A_140 = arith.constant 0 : i32
      %dma_wait3A_141 = tpu.memref_slice %arg2[%arg0, %dma_wait3A_139, %dma_wait3A_140] : memref<2x10000x64xf32, #tpu.memory_space<hbm>> -> memref<1x10000x64xf32, #tpu.memory_space<hbm>>
      %dma_wait3A_142 = tpu.memref_squeeze %dma_wait3A_141 : memref<1x10000x64xf32, #tpu.memory_space<hbm>> -> memref<10000x64xf32, #tpu.memory_space<hbm>>
      %dma_wait3A_143 = arith.constant 0 : i32
      %dma_wait3A_144 = arith.constant 0 : i32
      %dma_wait3A_145 = tpu.memref_slice %dma_wait3A_142[%dma_wait3A_143, %dma_wait3A_144] : memref<10000x64xf32, #tpu.memory_space<hbm>> -> memref<10000x64xf32, #tpu.memory_space<hbm>>
      tpu.wait_indirect_dma semaphore(%arg17 : memref<!tpu.dma_semaphore, #tpu.memory_space<semaphore_mem>>) src(%dma_wait3A_145 : memref<10000x64xf32, #tpu.memory_space<hbm>>) dst(%arg11 : memref<128x64xf32, #tpu.memory_space<vmem>>)
      %mul3A_146 = arith.constant 128 : i32
      %mul3A_147 = arith.muli %add3A_135, %mul3A_146 : i32
      %dma_start3A_148 = tpu.memref_slice %arg8[%mul3A_147] : memref<20096xi32, #tpu.memory_space<vmem>> -> memref<128xi32, #tpu.memory_space<vmem>>
      %dma_start3A_149 = arith.constant 0 : i32
      %dma_start3A_150 = arith.constant 0 : i32
      %dma_start3A_151 = tpu.memref_slice %arg14[%dma_start3A_149, %dma_start3A_150] : memref<10112x64xf32, #tpu.memory_space<vmem_shared>> -> memref<10112x64xf32, #tpu.memory_space<vmem_shared>>
      tpu.enqueue_indirect_dma source(%arg11 : memref<128x64xf32, #tpu.memory_space<vmem>>) target(%dma_start3A_151 : memref<10112x64xf32, #tpu.memory_space<vmem_shared>>) offsets(%dma_start3A_148 : memref<128xi32, #tpu.memory_space<vmem>>) semaphore(%arg20 : memref<!tpu.dma_semaphore, #tpu.memory_space<semaphore_mem>>) {add = true}
      %eq3A_152 = arith.constant 0 : i32
      %eq3A_153 = arith.cmpi eq, %arg0, %eq3A_152 : i32
      %convert_element_type3A_154 = arith.extui %eq3A_153 : i1 to i32
      %cond3A_155 = arith.constant 0 : i32
      %cond3A_156 = arith.cmpi ne, %convert_element_type3A_154, %cond3A_155 : i32
      scf.if %cond3A_156 {
        %broadcast_in_dim3A = arith.constant 1.000000e+00 : f32
        %broadcast_in_dim3A_163 = vector.broadcast %broadcast_in_dim3A : f32 to vector<16xf32>
        %mul3A_164 = arith.constant 128 : i32
        %mul3A_165 = arith.muli %add3A_135, %mul3A_164 : i32
        %add3A_166 = arith.constant 0 : i32
        %add3A_167 = arith.addi %mul3A_165, %add3A_166 : i32
        %get3A = arith.index_cast %add3A_167 : i32 to index
        %get3A_168 = tpu.vector_load %arg8[%get3A] {strides = array<i32>} : memref<20096xi32, #tpu.memory_space<vmem>>, vector<16xi32>,
        tpu.vector_store_idx %arg13[%get3A_168], %broadcast_in_dim3A_163 {add = true} : memref<10112xf32, #tpu.memory_space<vmem>>[vector<16xi32>], vector<16xf32>,
        %mul3A_169 = arith.constant 128 : i32
        %mul3A_170 = arith.muli %add3A_135, %mul3A_169 : i32
        %add3A_171 = arith.constant 16 : i32
        %add3A_172 = arith.addi %mul3A_170, %add3A_171 : i32
        %get3A_173 = arith.index_cast %add3A_172 : i32 to index
        %get3A_174 = tpu.vector_load %arg8[%get3A_173] {strides = array<i32>} : memref<20096xi32, #tpu.memory_space<vmem>>, vector<16xi32>,
        tpu.vector_store_idx %arg13[%get3A_174], %broadcast_in_dim3A_163 {add = true} : memref<10112xf32, #tpu.memory_space<vmem>>[vector<16xi32>], vector<16xf32>,
        %mul3A_175 = arith.constant 128 : i32
        %mul3A_176 = arith.muli %add3A_135, %mul3A_175 : i32
        %add3A_177 = arith.constant 32 : i32
        %add3A_178 = arith.addi %mul3A_176, %add3A_177 : i32
        %get3A_179 = arith.index_cast %add3A_178 : i32 to index
        %get3A_180 = tpu.vector_load %arg8[%get3A_179] {strides = array<i32>} : memref<20096xi32, #tpu.memory_space<vmem>>, vector<16xi32>,
        tpu.vector_store_idx %arg13[%get3A_180], %broadcast_in_dim3A_163 {add = true} : memref<10112xf32, #tpu.memory_space<vmem>>[vector<16xi32>], vector<16xf32>,
        %mul3A_181 = arith.constant 128 : i32
        %mul3A_182 = arith.muli %add3A_135, %mul3A_181 : i32
        %add3A_183 = arith.constant 48 : i32
        %add3A_184 = arith.addi %mul3A_182, %add3A_183 : i32
        %get3A_185 = arith.index_cast %add3A_184 : i32 to index
        %get3A_186 = tpu.vector_load %arg8[%get3A_185] {strides = array<i32>} : memref<20096xi32, #tpu.memory_space<vmem>>, vector<16xi32>,
        tpu.vector_store_idx %arg13[%get3A_186], %broadcast_in_dim3A_163 {add = true} : memref<10112xf32, #tpu.memory_space<vmem>>[vector<16xi32>], vector<16xf32>,
        %mul3A_187 = arith.constant 128 : i32
        %mul3A_188 = arith.muli %add3A_135, %mul3A_187 : i32
        %add3A_189 = arith.constant 64 : i32
        %add3A_190 = arith.addi %mul3A_188, %add3A_189 : i32
        %get3A_191 = arith.index_cast %add3A_190 : i32 to index
        %get3A_192 = tpu.vector_load %arg8[%get3A_191] {strides = array<i32>} : memref<20096xi32, #tpu.memory_space<vmem>>, vector<16xi32>,
        tpu.vector_store_idx %arg13[%get3A_192], %broadcast_in_dim3A_163 {add = true} : memref<10112xf32, #tpu.memory_space<vmem>>[vector<16xi32>], vector<16xf32>,
        %mul3A_193 = arith.constant 128 : i32
        %mul3A_194 = arith.muli %add3A_135, %mul3A_193 : i32
        %add3A_195 = arith.constant 80 : i32
        %add3A_196 = arith.addi %mul3A_194, %add3A_195 : i32
        %get3A_197 = arith.index_cast %add3A_196 : i32 to index
        %get3A_198 = tpu.vector_load %arg8[%get3A_197] {strides = array<i32>} : memref<20096xi32, #tpu.memory_space<vmem>>, vector<16xi32>,
        tpu.vector_store_idx %arg13[%get3A_198], %broadcast_in_dim3A_163 {add = true} : memref<10112xf32, #tpu.memory_space<vmem>>[vector<16xi32>], vector<16xf32>,
        %mul3A_199 = arith.constant 128 : i32
        %mul3A_200 = arith.muli %add3A_135, %mul3A_199 : i32
        %add3A_201 = arith.constant 96 : i32
        %add3A_202 = arith.addi %mul3A_200, %add3A_201 : i32
        %get3A_203 = arith.index_cast %add3A_202 : i32 to index
        %get3A_204 = tpu.vector_load %arg8[%get3A_203] {strides = array<i32>} : memref<20096xi32, #tpu.memory_space<vmem>>, vector<16xi32>,
        tpu.vector_store_idx %arg13[%get3A_204], %broadcast_in_dim3A_163 {add = true} : memref<10112xf32, #tpu.memory_space<vmem>>[vector<16xi32>], vector<16xf32>,
        %mul3A_205 = arith.constant 128 : i32
        %mul3A_206 = arith.muli %add3A_135, %mul3A_205 : i32
        %add3A_207 = arith.constant 112 : i32
        %add3A_208 = arith.addi %mul3A_206, %add3A_207 : i32
        %get3A_209 = arith.index_cast %add3A_208 : i32 to index
        %get3A_210 = tpu.vector_load %arg8[%get3A_209] {strides = array<i32>} : memref<20096xi32, #tpu.memory_space<vmem>>, vector<16xi32>,
        tpu.vector_store_idx %arg13[%get3A_210], %broadcast_in_dim3A_163 {add = true} : memref<10112xf32, #tpu.memory_space<vmem>>[vector<16xi32>], vector<16xf32>,
      } else {
      }
      %add3A_157 = arith.constant 2 : i32
      %add3A_158 = arith.addi %add3A_135, %add3A_157 : i32
      %lt3A_159 = arith.cmpi slt, %add3A_158, %select_n3A : i32
      %convert_element_type3A_160 = arith.extui %lt3A_159 : i1 to i32
      %cond3A_161 = arith.constant 0 : i32
      %cond3A_162 = arith.cmpi ne, %convert_element_type3A_160, %cond3A_161 : i32
      scf.if %cond3A_162 {
        %ge3A = arith.constant 1 : i32
        %ge3A_163 = arith.cmpi sge, %add3A_135, %ge3A : i32
        %convert_element_type3A_164 = arith.extui %ge3A_163 : i1 to i32
        %cond3A_165 = arith.constant 0 : i32
        %cond3A_166 = arith.cmpi ne, %convert_element_type3A_164, %cond3A_165 : i32
        scf.if %cond3A_166 {
          %dma_wait3A_179 = arith.constant 0 : i32
          %dma_wait3A_180 = tpu.memref_slice %arg8[%dma_wait3A_179] : memref<20096xi32, #tpu.memory_space<vmem>> -> memref<128xi32, #tpu.memory_space<vmem>>
          %dma_wait3A_181 = arith.constant 0 : i32
          %dma_wait3A_182 = arith.constant 0 : i32
          %dma_wait3A_183 = tpu.memref_slice %arg14[%dma_wait3A_181, %dma_wait3A_182] : memref<10112x64xf32, #tpu.memory_space<vmem_shared>> -> memref<10112x64xf32, #tpu.memory_space<vmem_shared>>
          tpu.wait_indirect_dma semaphore(%arg19 : memref<!tpu.dma_semaphore, #tpu.memory_space<semaphore_mem>>) src(%arg10 : memref<128x64xf32, #tpu.memory_space<vmem>>) dst(%dma_wait3A_183 : memref<10112x64xf32, #tpu.memory_space<vmem_shared>>)
        } else {
        }
        %add3A_167 = arith.constant 2 : i32
        %add3A_168 = arith.addi %add3A_135, %add3A_167 : i32
        %mul3A_169 = arith.constant 128 : i32
        %mul3A_170 = arith.muli %add3A_168, %mul3A_169 : i32
        %dma_start3A_171 = tpu.memref_slice %arg7[%mul3A_170] : memref<20096xi32, #tpu.memory_space<vmem>> -> memref<128xi32, #tpu.memory_space<vmem>>
        %dma_start3A_172 = arith.constant 0 : i32
        %dma_start3A_173 = arith.constant 0 : i32
        %dma_start3A_174 = tpu.memref_slice %arg2[%arg0, %dma_start3A_172, %dma_start3A_173] : memref<2x10000x64xf32, #tpu.memory_space<hbm>> -> memref<1x10000x64xf32, #tpu.memory_space<hbm>>
        %dma_start3A_175 = tpu.memref_squeeze %dma_start3A_174 : memref<1x10000x64xf32, #tpu.memory_space<hbm>> -> memref<10000x64xf32, #tpu.memory_space<hbm>>
        %dma_start3A_176 = arith.constant 0 : i32
        %dma_start3A_177 = arith.constant 0 : i32
        %dma_start3A_178 = tpu.memref_slice %dma_start3A_175[%dma_start3A_176, %dma_start3A_177] : memref<10000x64xf32, #tpu.memory_space<hbm>> -> memref<10000x64xf32, #tpu.memory_space<hbm>>
        tpu.enqueue_indirect_dma source(%dma_start3A_178 : memref<10000x64xf32, #tpu.memory_space<hbm>>) target(%arg10 : memref<128x64xf32, #tpu.memory_space<vmem>>) offsets(%dma_start3A_171 : memref<128xi32, #tpu.memory_space<vmem>>) semaphore(%arg16 : memref<!tpu.dma_semaphore, #tpu.memory_space<semaphore_mem>>)
      } else {
      }
    }
    %scan3A_45 = arith.constant 52 : i32
    %lt3A_46 = arith.constant 4 : i32
    %lt3A_47 = arith.cmpi slt, %arg1, %lt3A_46 : i32
    %convert_element_type3A_48 = arith.extui %lt3A_47 : i1 to i32
    %cond3A_49 = arith.constant 0 : i32
    %cond3A_50 = arith.cmpi ne, %convert_element_type3A_48, %cond3A_49 : i32
    scf.if %cond3A_50 {
      %dma_wait3A_66 = arith.constant 19968 : i32
      %dma_wait3A_67 = tpu.memref_slice %arg7[%dma_wait3A_66] : memref<20096xi32, #tpu.memory_space<vmem>> -> memref<128xi32, #tpu.memory_space<vmem>>
      %dma_wait3A_68 = arith.constant 0 : i32
      %dma_wait3A_69 = arith.constant 0 : i32
      %dma_wait3A_70 = tpu.memref_slice %arg2[%arg0, %dma_wait3A_68, %dma_wait3A_69] : memref<2x10000x64xf32, #tpu.memory_space<hbm>> -> memref<1x10000x64xf32, #tpu.memory_space<hbm>>
      %dma_wait3A_71 = tpu.memref_squeeze %dma_wait3A_70 : memref<1x10000x64xf32, #tpu.memory_space<hbm>> -> memref<10000x64xf32, #tpu.memory_space<hbm>>
      %dma_wait3A_72 = arith.constant 0 : i32
      %dma_wait3A_73 = arith.constant 0 : i32
      %dma_wait3A_74 = tpu.memref_slice %dma_wait3A_71[%dma_wait3A_72, %dma_wait3A_73] : memref<10000x64xf32, #tpu.memory_space<hbm>> -> memref<10000x64xf32, #tpu.memory_space<hbm>>
      tpu.wait_indirect_dma semaphore(%arg15 : memref<!tpu.dma_semaphore, #tpu.memory_space<semaphore_mem>>) src(%dma_wait3A_74 : memref<10000x64xf32, #tpu.memory_space<hbm>>) dst(%arg9 : memref<128x64xf32, #tpu.memory_space<vmem>>)
      %dma_start3A_75 = arith.constant 19968 : i32
      %dma_start3A_76 = tpu.memref_slice %arg8[%dma_start3A_75] : memref<20096xi32, #tpu.memory_space<vmem>> -> memref<128xi32, #tpu.memory_space<vmem>>
      %dma_start3A_77 = arith.constant 0 : i32
      %dma_start3A_78 = arith.constant 0 : i32
      %dma_start3A_79 = tpu.memref_slice %arg14[%dma_start3A_77, %dma_start3A_78] : memref<10112x64xf32, #tpu.memory_space<vmem_shared>> -> memref<10112x64xf32, #tpu.memory_space<vmem_shared>>
      tpu.enqueue_indirect_dma source(%arg9 : memref<128x64xf32, #tpu.memory_space<vmem>>) target(%dma_start3A_79 : memref<10112x64xf32, #tpu.memory_space<vmem_shared>>) offsets(%dma_start3A_76 : memref<128xi32, #tpu.memory_space<vmem>>) semaphore(%arg18 : memref<!tpu.dma_semaphore, #tpu.memory_space<semaphore_mem>>) {add = true}
      %eq3A = arith.constant 0 : i32
      %eq3A_80 = arith.cmpi eq, %arg0, %eq3A : i32
      %convert_element_type3A_81 = arith.extui %eq3A_80 : i1 to i32
      %cond3A_82 = arith.constant 0 : i32
      %cond3A_83 = arith.cmpi ne, %convert_element_type3A_81, %cond3A_82 : i32
      scf.if %cond3A_83 {
        %broadcast_in_dim3A = arith.constant 1.000000e+00 : f32
        %broadcast_in_dim3A_84 = vector.broadcast %broadcast_in_dim3A : f32 to vector<16xf32>
        %get3A = arith.constant 19968 : index
        %get3A_85 = tpu.vector_load %arg8[%get3A] {strides = array<i32>} : memref<20096xi32, #tpu.memory_space<vmem>>, vector<16xi32>,
        tpu.vector_store_idx %arg13[%get3A_85], %broadcast_in_dim3A_84 {add = true} : memref<10112xf32, #tpu.memory_space<vmem>>[vector<16xi32>], vector<16xf32>,
        %get3A_86 = arith.constant 19984 : index
        %get3A_87 = tpu.vector_load %arg8[%get3A_86] {strides = array<i32>} : memref<20096xi32, #tpu.memory_space<vmem>>, vector<16xi32>,
        tpu.vector_store_idx %arg13[%get3A_87], %broadcast_in_dim3A_84 {add = true} : memref<10112xf32, #tpu.memory_space<vmem>>[vector<16xi32>], vector<16xf32>,
        %get3A_88 = arith.constant 20000 : index
        %get3A_89 = tpu.vector_load %arg8[%get3A_88] {strides = array<i32>} : memref<20096xi32, #tpu.memory_space<vmem>>, vector<16xi32>,
        tpu.vector_store_idx %arg13[%get3A_89], %broadcast_in_dim3A_84 {add = true} : memref<10112xf32, #tpu.memory_space<vmem>>[vector<16xi32>], vector<16xf32>,
        %get3A_90 = arith.constant 20016 : index
        %get3A_91 = tpu.vector_load %arg8[%get3A_90] {strides = array<i32>} : memref<20096xi32, #tpu.memory_space<vmem>>, vector<16xi32>,
        tpu.vector_store_idx %arg13[%get3A_91], %broadcast_in_dim3A_84 {add = true} : memref<10112xf32, #tpu.memory_space<vmem>>[vector<16xi32>], vector<16xf32>,
        %get3A_92 = arith.constant 20032 : index
        %get3A_93 = tpu.vector_load %arg8[%get3A_92] {strides = array<i32>} : memref<20096xi32, #tpu.memory_space<vmem>>, vector<16xi32>,
        tpu.vector_store_idx %arg13[%get3A_93], %broadcast_in_dim3A_84 {add = true} : memref<10112xf32, #tpu.memory_space<vmem>>[vector<16xi32>], vector<16xf32>,
        %get3A_94 = arith.constant 20048 : index
        %get3A_95 = tpu.vector_load %arg8[%get3A_94] {strides = array<i32>} : memref<20096xi32, #tpu.memory_space<vmem>>, vector<16xi32>,
        tpu.vector_store_idx %arg13[%get3A_95], %broadcast_in_dim3A_84 {add = true} : memref<10112xf32, #tpu.memory_space<vmem>>[vector<16xi32>], vector<16xf32>,
        %get3A_96 = arith.constant 20064 : index
        %get3A_97 = tpu.vector_load %arg8[%get3A_96] {strides = array<i32>} : memref<20096xi32, #tpu.memory_space<vmem>>, vector<16xi32>,
        tpu.vector_store_idx %arg13[%get3A_97], %broadcast_in_dim3A_84 {add = true} : memref<10112xf32, #tpu.memory_space<vmem>>[vector<16xi32>], vector<16xf32>,
        %get3A_98 = arith.constant 20080 : index
        %get3A_99 = tpu.vector_load %arg8[%get3A_98] {strides = array<i32>} : memref<20096xi32, #tpu.memory_space<vmem>>, vector<16xi32>,
        tpu.vector_store_idx %arg13[%get3A_99], %broadcast_in_dim3A_84 {add = true} : memref<10112xf32, #tpu.memory_space<vmem>>[vector<16xi32>], vector<16xf32>,
      } else {
      }
    } else {
    }
    %dma_wait3A = arith.constant 0 : i32
    %dma_wait3A_51 = tpu.memref_slice %arg8[%dma_wait3A] : memref<20096xi32, #tpu.memory_space<vmem>> -> memref<128xi32, #tpu.memory_space<vmem>>
    %dma_wait3A_52 = arith.constant 0 : i32
    %dma_wait3A_53 = arith.constant 0 : i32
    %dma_wait3A_54 = tpu.memref_slice %arg14[%dma_wait3A_52, %dma_wait3A_53] : memref<10112x64xf32, #tpu.memory_space<vmem_shared>> -> memref<10112x64xf32, #tpu.memory_space<vmem_shared>>
    tpu.wait_indirect_dma semaphore(%arg18 : memref<!tpu.dma_semaphore, #tpu.memory_space<semaphore_mem>>) src(%arg9 : memref<128x64xf32, #tpu.memory_space<vmem>>) dst(%dma_wait3A_54 : memref<10112x64xf32, #tpu.memory_space<vmem_shared>>)
    %dma_wait3A_55 = arith.constant 0 : i32
    %dma_wait3A_56 = tpu.memref_slice %arg8[%dma_wait3A_55] : memref<20096xi32, #tpu.memory_space<vmem>> -> memref<128xi32, #tpu.memory_space<vmem>>
    %dma_wait3A_57 = arith.constant 0 : i32
    %dma_wait3A_58 = arith.constant 0 : i32
    %dma_wait3A_59 = tpu.memref_slice %arg14[%dma_wait3A_57, %dma_wait3A_58] : memref<10112x64xf32, #tpu.memory_space<vmem_shared>> -> memref<10112x64xf32, #tpu.memory_space<vmem_shared>>
    tpu.wait_indirect_dma semaphore(%arg19 : memref<!tpu.dma_semaphore, #tpu.memory_space<semaphore_mem>>) src(%arg10 : memref<128x64xf32, #tpu.memory_space<vmem>>) dst(%dma_wait3A_59 : memref<10112x64xf32, #tpu.memory_space<vmem_shared>>)
    %dma_wait3A_60 = arith.constant 0 : i32
    %dma_wait3A_61 = tpu.memref_slice %arg8[%dma_wait3A_60] : memref<20096xi32, #tpu.memory_space<vmem>> -> memref<128xi32, #tpu.memory_space<vmem>>
    %dma_wait3A_62 = arith.constant 0 : i32
    %dma_wait3A_63 = arith.constant 0 : i32
    %dma_wait3A_64 = tpu.memref_slice %arg14[%dma_wait3A_62, %dma_wait3A_63] : memref<10112x64xf32, #tpu.memory_space<vmem_shared>> -> memref<10112x64xf32, #tpu.memory_space<vmem_shared>>
    tpu.wait_indirect_dma semaphore(%arg20 : memref<!tpu.dma_semaphore, #tpu.memory_space<semaphore_mem>>) src(%arg11 : memref<128x64xf32, #tpu.memory_space<vmem>>) dst(%dma_wait3A_64 : memref<10112x64xf32, #tpu.memory_space<vmem_shared>>)
    %barrier3A_65 = arith.constant 0 : index
    tpu.barrier barrier_id(%barrier3A_65)
    "tpu.region"() ({
      %run_scoped3A_66 = tpu.sem_alloc : memref<!tpu.dma_semaphore, #tpu.memory_space<semaphore_mem>>
      %dma_start3A_67 = arith.constant 0 : i32
      %dma_start3A_68 = tpu.memref_slice %arg5[%arg0, %mul3A_4, %dma_start3A_67] : memref<2x10112x64xf32, #tpu.memory_space<hbm>> -> memref<1x632x64xf32, #tpu.memory_space<hbm>>
      %dma_start3A_69 = tpu.memref_squeeze %dma_start3A_68 : memref<1x632x64xf32, #tpu.memory_space<hbm>> -> memref<632x64xf32, #tpu.memory_space<hbm>>
      %dma_start3A_70 = arith.constant 0 : i32
      %dma_start3A_71 = tpu.memref_slice %arg14[%mul3A_4, %dma_start3A_70] : memref<10112x64xf32, #tpu.memory_space<vmem_shared>> -> memref<632x64xf32, #tpu.memory_space<vmem_shared>>
      tpu.enqueue_dma source(%dma_start3A_71 : memref<632x64xf32, #tpu.memory_space<vmem_shared>>) target(%dma_start3A_69 : memref<632x64xf32, #tpu.memory_space<hbm>>) target_semaphore(%run_scoped3A_66 : memref<!tpu.dma_semaphore, #tpu.memory_space<semaphore_mem>>)
      %dma_wait3A_72 = arith.constant 0 : i32
      %dma_wait3A_73 = tpu.memref_slice %arg5[%arg0, %mul3A_4, %dma_wait3A_72] : memref<2x10112x64xf32, #tpu.memory_space<hbm>> -> memref<1x632x64xf32, #tpu.memory_space<hbm>>
      %dma_wait3A_74 = tpu.memref_squeeze %dma_wait3A_73 : memref<1x632x64xf32, #tpu.memory_space<hbm>> -> memref<632x64xf32, #tpu.memory_space<hbm>>
      %dma_wait3A_75 = arith.constant 0 : i32
      %dma_wait3A_76 = tpu.memref_slice %arg14[%mul3A_4, %dma_wait3A_75] : memref<10112x64xf32, #tpu.memory_space<vmem_shared>> -> memref<632x64xf32, #tpu.memory_space<vmem_shared>>
      tpu.wait_dma2 semaphore(%run_scoped3A_66 : memref<!tpu.dma_semaphore, #tpu.memory_space<semaphore_mem>>) src(%dma_wait3A_76 : memref<632x64xf32, #tpu.memory_space<vmem_shared>>) dst(%dma_wait3A_74 : memref<632x64xf32, #tpu.memory_space<hbm>>)
      tpu.yield
    }) : () -> ()
    "tpu.region"() ({
      %run_scoped3A_66 = tpu.sem_alloc : memref<!tpu.dma_semaphore, #tpu.memory_space<semaphore_mem>>
      %dma_start3A_67 = arith.constant 0 : i32
      %dma_start3A_68 = tpu.memref_slice %arg6[%arg0, %arg1, %dma_start3A_67] : memref<2x16x10112xf32, #tpu.memory_space<hbm>> -> memref<1x1x10112xf32, #tpu.memory_space<hbm>>
      %dma_start3A_69 = tpu.memref_squeeze %dma_start3A_68 : memref<1x1x10112xf32, #tpu.memory_space<hbm>> -> memref<10112xf32, #tpu.memory_space<hbm>>
      %dma_start3A_70 = arith.constant 0 : i32
      %dma_start3A_71 = tpu.memref_slice %arg6[%arg0, %arg1, %dma_start3A_70] : memref<2x16x10112xf32, #tpu.memory_space<hbm>> -> memref<1x1x10112xf32, #tpu.memory_space<hbm>>
      %dma_start3A_72 = tpu.memref_squeeze %dma_start3A_71 : memref<1x1x10112xf32, #tpu.memory_space<hbm>> -> memref<10112xf32, #tpu.memory_space<hbm>>
      tpu.enqueue_dma source(%arg13 : memref<10112xf32, #tpu.memory_space<vmem>>) target(%dma_start3A_72 : memref<10112xf32, #tpu.memory_space<hbm>>) target_semaphore(%run_scoped3A_66 : memref<!tpu.dma_semaphore, #tpu.memory_space<semaphore_mem>>)
      %dma_wait3A_73 = arith.constant 0 : i32
      %dma_wait3A_74 = tpu.memref_slice %arg6[%arg0, %arg1, %dma_wait3A_73] : memref<2x16x10112xf32, #tpu.memory_space<hbm>> -> memref<1x1x10112xf32, #tpu.memory_space<hbm>>
      %dma_wait3A_75 = tpu.memref_squeeze %dma_wait3A_74 : memref<1x1x10112xf32, #tpu.memory_space<hbm>> -> memref<10112xf32, #tpu.memory_space<hbm>>
      %dma_wait3A_76 = arith.constant 0 : i32
      %dma_wait3A_77 = tpu.memref_slice %arg6[%arg0, %arg1, %dma_wait3A_76] : memref<2x16x10112xf32, #tpu.memory_space<hbm>> -> memref<1x1x10112xf32, #tpu.memory_space<hbm>>
      %dma_wait3A_78 = tpu.memref_squeeze %dma_wait3A_77 : memref<1x1x10112xf32, #tpu.memory_space<hbm>> -> memref<10112xf32, #tpu.memory_space<hbm>>
      tpu.wait_dma2 semaphore(%run_scoped3A_66 : memref<!tpu.dma_semaphore, #tpu.memory_space<semaphore_mem>>) src(%arg13 : memref<10112xf32, #tpu.memory_space<vmem>>) dst(%dma_wait3A_78 : memref<10112xf32, #tpu.memory_space<hbm>>)
      tpu.yield
    }) : () -> ()
    return
  }
}

module attributes {stable_mosaic.version = 14 : i64} {
  func.func @_combine_body(%arg0: memref<2x10112x64xf32, #tpu.memory_space<vmem>>, %arg1: memref<2x16x10112xf32, #tpu.memory_space<vmem>>, %arg2: memref<10000x128xf32, #tpu.memory_space<vmem>>) attributes {dimension_semantics = [], scalar_prefetch = 0 : i64, scratch_operands = 0 : i64, tpu.core_type = #tpu.core_type<tc>} {
    %get3A = arith.constant 0 : index
    %get3A_0 = arith.constant 0 : index
    %get3A_1 = arith.constant 0 : index
    %get3A_2 = vector.load %arg1[%get3A, %get3A_0, %get3A_1] : memref<2x16x10112xf32, #tpu.memory_space<vmem>>, vector<2x16x10112xf32>
    %reshape3A = vector.shape_cast %get3A_2 : vector<2x16x10112xf32> to vector<32x10112xf32>
    %reduce_sum3A = arith.constant dense<0.000000e+00> : vector<10112xf32>
    %reduce_sum3A_3 = vector.multi_reduction <add>, %reshape3A, %reduce_sum3A [0] : vector<32x10112xf32> to vector<10112xf32>
    %slice3A = vector.extract_strided_slice %reduce_sum3A_3 {offsets = [0], sizes = [10000], strides = [1]} : vector<10112xf32> to vector<10000xf32>
    %max3A = arith.constant 1.000000e+00 : f32
    %max3A_4 = vector.broadcast %max3A : f32 to vector<10000xf32>
    %max3A_5 = arith.maximumf %slice3A, %max3A_4 : vector<10000xf32>
    %reshape3A_6 = vector.shape_cast %max3A_5 : vector<10000xf32> to vector<10000x1xf32>
    %get3A_7 = arith.constant 0 : index
    %get3A_8 = arith.constant 0 : index
    %get3A_9 = arith.constant 0 : index
    %get3A_10 = vector.load %arg0[%get3A_7, %get3A_8, %get3A_9] : memref<2x10112x64xf32, #tpu.memory_space<vmem>>, vector<1x10000x64xf32>
    %get3A_11 = vector.shape_cast %get3A_10 : vector<1x10000x64xf32> to vector<10000x64xf32>
    %get3A_12 = arith.constant 1 : index
    %get3A_13 = arith.constant 0 : index
    %get3A_14 = arith.constant 0 : index
    %get3A_15 = vector.load %arg0[%get3A_12, %get3A_13, %get3A_14] : memref<2x10112x64xf32, #tpu.memory_space<vmem>>, vector<1x10000x64xf32>
    %get3A_16 = vector.shape_cast %get3A_15 : vector<1x10000x64xf32> to vector<10000x64xf32>
    %concatenate3A = tpu.concatenate %get3A_11, %get3A_16 in 1 : vector<10000x64xf32>, vector<10000x64xf32> -> vector<10000x128xf32>
    %div3A = vector.broadcast %reshape3A_6 : vector<10000x1xf32> to vector<10000x128xf32>
    %div3A_17 = arith.divf %concatenate3A, %div3A : vector<10000x128xf32>
    %swap3A = arith.constant 0 : index
    %swap3A_18 = arith.constant 0 : index
    %swap3A_19 = vector.load %arg2[%swap3A, %swap3A_18] : memref<10000x128xf32, #tpu.memory_space<vmem>>, vector<10000x128xf32>
    tpu.vector_store %arg2[%swap3A, %swap3A_18], %div3A_17 {strides = array<i32>} : memref<10000x128xf32, #tpu.memory_space<vmem>>, vector<10000x128xf32>,
    return
  }
}

</mosaic_0001>

<sc_bundles>
// kernel: kernel.4.cloned.1.call-start
scs
__scs_entry_jumppad:
0x0: {  	(pc) =	sbr.rel $0x88, $3  }
0x1: {  	(tag) =	ssettag $0x0;
	lr =	simm.s32 $0x1  }
0x2: {  	[smem:$0x3F9F] =	sst lr;
	_ =	strace $0xD0000000  }
0x3: {  	_ = 	snop  }
0x4: {  	_ = 	snop  }
0x5: {  	_ = 	snop  }
0x6: {  	_ = 	snop  }
0x7: {  	_ = 	snop  }
__scs_overlays_trampoline_lowered:
0x8: {  	[smem:$0x3FAE] =	sst s0  }
0x9: {  	[smem:$0x3FAF] =	sst s1  }
0xa: {  	[smem:$0x3FB0] =	sst s2  }
0xb: {  	[smem:$0x3FB1] =	sst s3  }
0xc: {  	[smem:$0x3FB2] =	sst s4  }
0xd: {  	[smem:$0x3FB3] =	sst s5  }
0xe: {  	[smem:$0x3FB4] =	sst s6  }
0xf: {  	[smem:$0x3FB5] =	sst s7  }
0x10: {  	[smem:$0x3FB6] =	sst s8  }
0x11: {  	[smem:$0x3FB7] =	sst s9;
	s0 =	simm.s32 @!p0 $0x0  }
0x12: {  	s1 =	sld [smem:$0x3F9D];
	s0 =	simm.s32 @p0 $0x1  }
0x13: {  	[smem:$0x3FB8] =	sst s0;
	s0 =	simm.s32 @!p1 $0x0  }
0x14: {  	s2 =	sld [smem:$0x3F9C];
	s0 =	simm.s32 @p1 $0x1  }
0x15: {  	[smem:$0x3FB9] =	sst s0;
	s0 =	simm.s32 @!p2 $0x0  }
0x16: {  	s3 =	sld [smem:$0x3FDB];
	s0 =	simm.s32 @p2 $0x1  }
0x17: {  	s4 =	simm.s32 $0x1BF5;
	[smem:$0x3FBB] =	sst s0  }
0x18: {  	s0 =	sld [smem:$0x3F9E];
	_ =	swait.ge [sflag:s4], $0x0  }
0x19: {  	s7 =	sld [smem:$0x3F9F]  }
0x1a: {  	s8 =	sadd.s32 $0xFFFFE003, lr  }
0x1b: {  	s9 =	sadd.s32 $0xFFFFFEF7, lr;
	s5 =	simm.s32 $0xFFFFFFFF;
	p2 =	slt.u32 s8, $0xFFFFF086  }
0x1c: {  	p1 =	slt.u32 s9, $0xF7A;
	s5 =	simm.s32 @!p2 $0x0  }
0x1d: {  	s5 =	simm.s32 @p1 $0x1;
	p0 =	seq.s32 s7, s2  }
0x1e: {  	s7 =	smul.u32 @!p0 $0xF7A, s2;
	p2 =	seq.s32 @!p0 s5, $0x0  }
0x1f: {  	s9 =	smul.u32 $0xF7A, s1;
	s8 =	simm.s32 @!p0 $0x1BF5;
	p2 =	por !p2, p0  }
0x20: {  	[sflag:s8] =	ssyncset.s32 @!p0 $0xFFFFF086;
	s6 =	sadd.s32 @!p0 s3, s7;
	s7 =	simm.s32 @!p0 $0x108  }
0x21: {  	s3 =	sadd.s32 s3, s9;
	s6 =	sadd.s32 @!p0 $0x88, s6;
	s7 =	simm.s32 @p2 $0x1082  }
0x22: {  	[simem:s7], [sflag:s8] =	dma.local @!p0 [hbm:s6], $0xF7A  }
0x23: {  	s9 =	sor.u32 $0xD0000000, s2;
	s6 =	simm.s32 $0x108;
	_ =	swait.ge @!p0 [sflag:s8], $0x0  }
0x24: {  	s3 =	sadd.s32 $0x88, s3;
	s6 =	simm.s32 @!p1 $0x1082;
	[sflag:s4] =	ssyncset.s32 $0xFFFFF086  }
0x25: {  	[simem:s6], [sflag:s4] =	dma.local [hbm:s3], $0xF7A  }
0x26: {  	[smem:$0x3F9F] =	sst s1;
	(tag) =	ssettag s2;
	_ =	strace s9  }
0x27: {  	s1 =	sld [smem:$0x3FAF]  }
0x28: {  	s2 =	sld [smem:$0x3FB0]  }
0x29: {  	s4 =	sld [smem:$0x3FB2]  }
0x2a: {  	p0 =	seq.s32 s5, $0x0;
	s5 =	sld [smem:$0x3FB3]  }
0x2b: {  	s6 =	sld [smem:$0x3FB4]  }
0x2c: {  	s7 =	sld [smem:$0x3FB5]  }
0x2d: {  	s3 =	simm.s32 $0x108;
	s8 =	sld [smem:$0x3FB6]  }
0x2e: {  	s3 =	simm.s32 @!p0 $0x1082;
	s9 =	sld [smem:$0x3FB7]  }
0x2f: {  	lr =	sadd.s32 s0, s3;
	s0 =	sld [smem:$0x3FAE]  }
0x30: {  	s3 =	sld [smem:$0x3FB1]  }
0x31: {  	[smem:$0x3FBA] =	sst s10  }
0x32: {  	s10 =	sld [smem:$0x3FB8];
	_ =	sdelay $0x3  }
0x33: {  	p0 =	seq.s32 s10, $0x1;
	s10 =	sld [smem:$0x3FBA];
	_ =	sdelay $0x3  }
0x34: {  	[smem:$0x3FBA] =	sst s10  }
0x35: {  	s10 =	sld [smem:$0x3FB9];
	_ =	sdelay $0x3  }
0x36: {  	p1 =	seq.s32 s10, $0x1;
	s10 =	sld [smem:$0x3FBA];
	_ =	sdelay $0x3  }
0x37: {  	[smem:$0x3FBA] =	sst s10  }
0x38: {  	s10 =	sld [smem:$0x3FBB]  }
0x39: {  	_ = 	snop;
	(pc) =	sbr.ind lr, $3  }
0x3a: {  	_ = 	snop  }
0x3b: {  	_ = 	snop  }
0x3c: {  	p2 =	seq.s32 s10, $0x1;
	s10 =	sld [smem:$0x3FBA]  }
0x3d: {  	_ =	shalt  }
0x3e: {  	_ =	shalt  }
0x3f: {  	_ =	shalt  }
0x40: {  	_ =	shalt  }
0x41: {  	_ =	shalt  }
0x42: {  	_ =	shalt  }
0x43: {  	_ =	shalt  }
0x44: {  	_ =	shalt  }
0x45: {  	_ =	shalt  }
0x46: {  	_ =	shalt  }
0x47: {  	_ =	shalt  }
0x48: {  	_ =	shalt  }
0x49: {  	_ =	shalt  }
0x4a: {  	_ =	shalt  }
0x4b: {  	_ =	shalt  }
0x4c: {  	_ =	shalt  }
0x4d: {  	_ =	shalt  }
0x4e: {  	_ =	shalt  }
0x4f: {  	_ =	shalt  }
0x50: {  	_ =	shalt  }
0x51: {  	_ =	shalt  }
0x52: {  	_ =	shalt  }
0x53: {  	_ =	shalt  }
0x54: {  	_ =	shalt  }
0x55: {  	_ =	shalt  }
0x56: {  	_ =	shalt  }
0x57: {  	_ =	shalt  }
0x58: {  	_ =	shalt  }
0x59: {  	_ =	shalt  }
0x5a: {  	_ =	shalt  }
0x5b: {  	_ =	shalt  }
0x5c: {  	_ =	shalt  }
0x5d: {  	_ =	shalt  }
0x5e: {  	_ =	shalt  }
0x5f: {  	_ =	shalt  }
0x60: {  	_ =	shalt  }
0x61: {  	_ =	shalt  }
0x62: {  	_ =	shalt  }
0x63: {  	_ =	shalt  }
0x64: {  	_ =	shalt  }
0x65: {  	_ =	shalt  }
0x66: {  	_ =	shalt  }
0x67: {  	_ =	shalt  }
0x68: {  	_ =	shalt  }
0x69: {  	_ =	shalt  }
0x6a: {  	_ =	shalt  }
0x6b: {  	_ =	shalt  }
0x6c: {  	_ =	shalt  }
0x6d: {  	_ =	shalt  }
0x6e: {  	_ =	shalt  }
0x6f: {  	_ =	shalt  }
0x70: {  	_ =	shalt  }
0x71: {  	_ =	shalt  }
0x72: {  	_ =	shalt  }
0x73: {  	_ =	shalt  }
0x74: {  	_ =	shalt  }
0x75: {  	_ =	shalt  }
0x76: {  	_ =	shalt  }
0x77: {  	_ =	shalt  }
0x78: {  	_ =	shalt  }
0x79: {  	_ =	shalt  }
0x7a: {  	_ =	shalt  }
0x7b: {  	_ =	shalt  }
0x7c: {  	_ =	shalt  }
0x7d: {  	_ =	shalt  }
0x7e: {  	_ =	shalt  }
0x7f: {  	_ =	shalt  }
0x80: {  	_ =	shalt  }
0x81: {  	_ =	shalt  }
0x82: {  	_ =	shalt  }
0x83: {  	_ =	shalt  }
0x84: {  	_ =	shalt  }
0x85: {  	_ =	shalt  }
0x86: {  	_ =	shalt  }
0x87: {  	_ =	shalt  }
.Lfunc_end0:
.L_simem_size_0:
called_computation_lowered:
.L_overlay_start_0:
0x88: {  	s2 =	sld [smem:$0x3FD9]  }
0x89: {  	s3 =	sld [smem:$0x3FFE];
	_ =	sdelay $0x1  }
0x8a: {  	s1 =	srdreg.scid  }
0x8b: {  	s0 =	sand.u32 $0x1, s1  }
0x8c: {  	s17 =	sshll.u32 s0, $0xA;
	s2 =	sadd.s32 s3, s2  }
0x8d: {  	s2 =	sadd.s32 s2, s17  }
0x8e: {  	[smem:$0x3FC6] =	sst s2  }
0x8f: {  	_ = 	snop  }
0x90: {  	s2 =	sld [smem:$0x3FD0];
	(tm) =	ssettm $0x1  }
0x91: {  	s18 =	sld [smem:$0x3FFB];
	_ =	sdelay $0x3  }
0x92: {  	_ =	strace s18  }
0x93: {  	s3 =	sld [smem:$0x3FFC];
	_ =	sdelay $0x3  }
0x94: {  	_ =	strace s3  }
0x95: {  	s3 =	sld [smem:$0x3FFD];
	_ =	sdelay $0x3  }
0x96: {  	_ =	strace s3  }
0x97: {  	_ =	strace $0x8FFFFFFF  }
0x98: {  	s19 =	sld [smem:$0x3FDB];
	_ =	sdelay $0x1  }
0x99: {  	s4 =	simm.s32 $_scs_section_size  }
0x9a: {  	s5 =	simm.s32 $_size__tile_overlayer_lowered;
	s6 =	simm.s32 $_tile_overlayer_lowered  }
0x9b: {  	s22 =	simm.s32 $0x1BFF;
	s21 =	sshll.u32 s6, $0x1;
	s3 =	sadd.s32 s4, s19  }
0x9c: {  	s7 =	simm.s32 $0x0;
	s20 =	sshll.u32 s5, $0x1;
	s5 =	sadd.s32 s21, s3  }
0x9d: {  	[timem:s7], [sflag:s22] =	dma.local [hbm:s5], s20  }
0x9e: {  	_ =	swait.ge [sflag:s22], s20  }
0x9f: {  	s4 =	ssub.s32 $0x0, s20;
	[sflag:s22] =	ssyncset.done $0x0  }
0xa0: {  	[sflag:s22] =	ssyncadd.s32 s4;
	_ =	sdelay $0x1  }
0xa1: {  	s23 =	simm.s32 $0x1B8B  }
0xa2: {  	_ =	swait.ge [sflag:s23], $0x1  }
0xa3: {  	[sflag:s23] =	ssyncset.done $0x0  }
0xa4: {  	s25 =	simm.s32 $0x1B8E;
	s24 =	sld [smem:$0x3FFE];
	[sflag:s23] =	ssyncadd.s32 $0xFFFFFFFF  }
0xa5: {  	s26 =	simm.s32 $execute0_lowered;
	[smem:$0x3FD2] =	sst s25  }
0xa6: {  	s5 =	sshll.u32 s26, $0x1;
	_ =	strace $0x80000046;
	[dreg:$0x1] =	wrdreg $0xFFFFFFFF  }
0xa7: {  	s28 =	simm.s32 $_size_execute0_lowered;
	s3 =	sadd.s32 s3, s5;
	[dreg:$0x0] =	wrdreg $0x0  }
0xa8: {  	s5 =	sshll.u32 s28, $0x1;
	[dreg:$0x2] =	wrdreg s3  }
0xa9: {  	[dreg:$0x3] =	wrdreg s5  }
0xaa: {  	[dreg:$0x4] =	wrdreg $0xC0  }
0xab: {  	_ =	task [dreg:s7], $0x5FFFF  }
0xac: {  	[dreg:$0x1] =	wrdreg $0xFFFFFFFF  }
0xad: {  	[dreg:$0x0] =	wrdreg $0x60  }
0xae: {  	[dreg:$0x2] =	wrdreg s2  }
0xaf: {  	[dreg:$0x3] =	wrdreg s24  }
0xb0: {  	[dreg:$0x4] =	wrdreg $0x144800  }
0xb1: {  	[dreg:$0x5] =	wrdreg $0x9  }
0xb2: {  	_ =	task.clear_ibuf [dreg:s7], $0x6FFFF;
	_ =	strace $0x90000046  }
0xb3: {  	s29 =	simm.s32 $0x9;
	_ =	strace $0x80000048  }
0xb4: {  	_ =	swait.ge [sflag:s29], $0x1  }
0xb5: {  	[sflag:s29] =	ssyncadd.s32 $0xFFFFFFFF  }
0xb6: {  	_ =	strace $0x90000048  }
0xb7: {  	_ =	sfence  }
0xb8: {  	s30 =	sld [smem:$0x0];
	_ =	sdelay $0x2  }
0xb9: {  	s31 =	sshll.u32 s1, $0xD;
	s1 =	sshrl.u32 s1, $0x2  }
0xba: {  	s3 =	sand.u32 $0x4000, s31;
	s1 =	sadd.s32 s1, s30  }
0xbb: {  	s0 =	sor.u32 s3, s0;
	s1 =	sshll.u32 s1, $0x11  }
0xbc: {  	s0 =	sor.u32 s1, s0  }
0xbd: {  	s0 =	sadd.s32 $0x8F2B, s0  }
0xbe: {  	[sflag:s0] =	ssyncadd.remote.s32 $0x1  }
0xbf: {  	_ =	sfence.sel $0xFFFF  }
0xc0: {  	[dreg:$0x0] =	wrdreg $0xFFFFFFFF;
	(pc) =	sbr.abs _section_cstart, $3  }
0xc1: {  	[dreg:$0x1] =	wrdreg $0xFFFFFFFF  }
0xc2: {  	_ =	task.clear_ibuf [dreg:s7], $0x2FFFF;
	_ =	strace $0x9FFFFFFF  }
0xc3: {  	(tm) =	ssettm $0x7FFFFFFF  }
tec
execute0_lowered:
.L_overlay_start_1:
0x0: {  	(tag) =	ssettag $0x1  }
0x1: {  	s0 =	rddreg [dreg:$0x0]  }
0x2: {  	s1 =	rddreg [dreg:$0x1]  }
0x3: {  	s3 =	srdreg.scid;
	s20 =	stileid.u32  }
0x4: {  	s2 =	rddreg [dreg:$0x2];
	s28 =	simm.s32 $0x3;
	s29 =	simm.s32 $0x4  }
0x5: {  	s30 =	simm.s32 $0x5;
	s31 =	simm.s32 $0x6;
	s5 =	smul.u32 $0x9E00, s20  }
0x6: {  	s4 =	sand.u32 $0x1, s3;
	s3 =	simm.s32 $0x0;
	s8 =	smul.u32 $0x2780, s20  }
0x7: {  	s11 =	sadd.s32 $0xC00, s1;
	s9 =	sadd.s32 $0x14600, s1;
	s16 =	smul.u32 $0x27800, s20  }
0x8: {  	s18 =	smul.u32 $0x4E00, s20;
	s12 =	sshll.u32 s20, $0x4;
	p0 =	sgt.u32 s20, $0x3  }
0x9: {  	s20 =	simm.s32 $0x0;
	s6 =	smul.u32 $0x9E000, s4;
	[smem:$0x7FF] =	sst s3  }
0xa: {  	s7 =	smul.u32 $0x27800, s4;
	s15 =	ssub.s32 $0x2, s4;
	s24 =	sadd.s32 s12, s11  }
0xb: {  	s14 =	smul.u32 $0x13880, s4;
	p1 =	sne.s32 s4, $0x0;
	p2 =	seq.s32 s4, $0x0  }
0xc: {  	p3 =	sne.s32 @!p0 s4, $0x0;
	_ =	strace $0x80000047;
	[dreg:$0x4] =	wrdreg s9  }
0xd: {  	s10 =	sshrl.u32 s15, $0x1;
	s17 =	sshrl.u32 s16, $0x2;
	s23 =	sshrl.u32 s18, $0x3  }
0xe: {  	s26 =	sadd.s32 $0x9C00, s24;
	s13 =	sadd.s32 $0x13840, s24;
	s18 =	simm.s32 $0xFD00  }
0xf: {  	s24 =	simm.s32 $0x1;
	p3 =	por p3, p0;
	s6 =	sadd.s32 s5, s6  }
0x10: {  	s7 =	sadd.s32 s8, s7;
	s5 =	sadd.s32 s5, s2;
	s8 =	sadd.s32 s17, s2  }
0x11: {  	[dreg:$0xa] =	wrdreg s26;
	s14 =	sadd.s32 s0, s14;
	s26 =	simm.s32 $0x2  }
0x12: {  	s6 =	sshrl.u32 s6, $0x3;
	s7 =	sshrl.u32 s7, $0x3;
	s19 =	sadd.s32 $0x2000, s8  }
0x13: {  	s21 =	sadd.s32 $0x4000, s8;
	s22 =	sadd.s32 $0x6000, s8;
	[dreg:$0x5] =	wrdreg s19  }
0x14: {  	s8 =	sadd.s32 $0x8000, s8;
	s6 =	sadd.s32 s6, s1;
	[dreg:$0x6] =	wrdreg s21  }
0x15: {  	s1 =	sadd.s32 s7, s1;
	s7 =	ssub.s32 s15, s10;
	[dreg:$0x7] =	wrdreg s22  }
0x16: {  	[dreg:$0x8] =	wrdreg s8;
	s10 =	sadd.s32 s11, s23;
	s19 =	simm.s32 $0x7  }
0x17: {  	s21 =	simm.s32 $0x80;
	s22 =	simm.s32 $0x9D00;
	s23 =	simm.s32 $0xBD00  }
0x18: {  	s25 =	sadd.s32 $0x9C40, s10;
	s15 =	sadd.s32 $0x14A00, s6;
	s16 =	sadd.s32 $0x3C200, s1  }
0x19: {  	v0 =	vimm.f32 $0.0e+00;
	s17 =	smax.u32 s7, $0x1;
	[dreg:$0x9] =	wrdreg s25;
	s25 =	simm.s32 $0xDD00  }
.LBB2_1:
0x1a: {  	s0 =	rddreg [dreg:$0x4]  }
0x1b: {  	[tilespmem:s18], [sflag:$0x7] =	stream.linear.gather [hbm4b:s0+s3], $0x2000, $0x38;
	[tilespmem:$0x1E280] =	vst v63  }
0x1c: {  	_ =	swait.ge [sflag:s19], $0x2000  }
0x1d: {  	[sflag:s19] =	ssyncset.done $0x0  }
0x1e: {  	s1 =	simm.s32 $0x0;
	s0 =	simm.s32 $0x40;
	[sflag:s19] =	ssyncadd.s32 $0xFFFFE000  }
.LBB2_2:
0x1f: {  	p4 =	sne.s32 s0, $0x9DC0;
	[tilespmem:s1+$0x11D00] =	vst v0;
	s1 =	smov.u32 s0;
	s0 =	sadd.s32 $0x40, s0  }
.Ltmp0:
0x20: {  	(pc) =	sbr.rel @p4 .LBB2_2-.Ltmp0, $2  }
0x21: {  	_ =	sdelay $0x2  }
0x22: {  	s1 =	sshra.s32 s1, $0x2  }
0x23: {  	[tilespmem:s1+$0x11D00] =	vst v0  }
0x24: {  	[spmem:s5] =	stream.linear.scatter [tilespmem:s18], [sflag:$0x7], $0x2000, $0x38;
	[tilespmem:$0x1E280] =	vst v63  }
0x25: {  	_ =	swait.ge [sflag:s19], $0x2000  }
0x26: {  	[sflag:s19] =	ssyncset.done $0x0  }
0x27: {  	s0 =	rddreg [dreg:$0x5];
	[sflag:s19] =	ssyncadd.s32 $0xFFFFE000  }
0x28: {  	[spmem:s0] =	stream.linear.scatter [tilespmem:s18], [sflag:$0x7], $0x2000, $0x38;
	[tilespmem:$0x1E280] =	vst v63  }
0x29: {  	_ =	swait.ge [sflag:s19], $0x2000  }
0x2a: {  	[sflag:s19] =	ssyncset.done $0x0  }
0x2b: {  	s7 =	rddreg [dreg:$0x6];
	[sflag:s19] =	ssyncadd.s32 $0xFFFFE000  }
0x2c: {  	[spmem:s7] =	stream.linear.scatter [tilespmem:s18], [sflag:$0x7], $0x2000, $0x38;
	[tilespmem:$0x1E280] =	vst v63  }
0x2d: {  	_ =	swait.ge [sflag:s19], $0x2000  }
0x2e: {  	[sflag:s19] =	ssyncset.done $0x0  }
0x2f: {  	s8 =	rddreg [dreg:$0x7];
	[sflag:s19] =	ssyncadd.s32 $0xFFFFE000  }
0x30: {  	[spmem:s8] =	stream.linear.scatter [tilespmem:s18], [sflag:$0x7], $0x2000, $0x38;
	[tilespmem:$0x1E280] =	vst v63  }
0x31: {  	_ =	swait.ge [sflag:s19], $0x2000  }
0x32: {  	[sflag:s19] =	ssyncset.done $0x0  }
0x33: {  	s9 =	rddreg [dreg:$0x8];
	[sflag:s19] =	ssyncadd.s32 $0xFFFFE000  }
0x34: {  	[spmem:s9] =	stream.linear.scatter [tilespmem:s18], [sflag:$0x7], $0x1E00, $0x38;
	[tilespmem:$0x1E280] =	vst v63  }
0x35: {  	_ =	swait.ge [sflag:s19], $0x1E00  }
0x36: {  	[sflag:s19] =	ssyncset.done $0x0  }
0x37: {  	[sflag:s19] =	ssyncadd.s32 $0xFFFFE200  }
0x38: {  	[bflag:$0x0] =	sbarrier.arrive $0xFFFF  }
0x39: {  	[tilespmem:s3], [sflag:$0x7] =	stream.linear.gather [hbm4b:s10+s3], $0x4E00, $0x38;
	[tilespmem:$0x1E280] =	vst v63  }
0x3a: {  	_ =	swait.ge [sflag:s19], $0x4E00  }
0x3b: {  	[sflag:s19] =	ssyncset.done $0x0  }
0x3c: {  	s12 =	simm.s32 $0x4E80;
	s11 =	rddreg [dreg:$0x9];
	[sflag:s19] =	ssyncadd.s32 $0xFFFFB200  }
0x3d: {  	[tilespmem:s12], [sflag:$0x7] =	stream.linear.gather [hbm4b:s11+s3], $0x4E00, $0x38;
	[tilespmem:$0x1E280] =	vst v63  }
0x3e: {  	_ =	swait.ge [sflag:s19], $0x4E00  }
0x3f: {  	s1 =	simm.s32 @!p0 $0x4E00;
	[sflag:s19] =	ssyncset.done $0x0  }
0x40: {  	s0 =	simm.s32 @!p0 $0x0;
	s4 =	rddreg [dreg:$0xa];
	[sflag:s19] =	ssyncadd.s32 $0xFFFFB200  }
0x41: {  	[tilespmem:s1], [sflag:$0x7] =	stream.linear.gather @!p0 [hbm4b:s4+s0], $0x80, $0x38;
	[tilespmem:$0x1E280] =	vst v63  }
0x42: {  	s1 =	simm.s32 @!p0 $0x7  }
0x43: {  	_ =	swait.ge @!p0 [sflag:s1], $0x80  }
0x44: {  	[sflag:s1] =	ssyncset.done @!p0 $0x0  }
0x45: {  	s4 =	simm.s32 @!p0 $0x9C80;
	[sflag:s1] =	ssyncadd.s32 @!p0 $0xFFFFFF80  }
0x46: {  	[tilespmem:s4], [sflag:$0x7] =	stream.linear.gather @!p0 [hbm4b:s13+s0], $0x80, $0x38;
	[tilespmem:$0x1E280] =	vst v63  }
0x47: {  	_ =	swait.ge @!p0 [sflag:s1], $0x80  }
0x48: {  	[sflag:s1] =	ssyncset.done @!p0 $0x0  }
0x49: {  	s0 =	simm.s32 $0x0;
	[sflag:s1] =	ssyncadd.s32 @!p0 $0xFFFFFF80;
	s1 =	simm.s32 @!p0 $0x9D  }
0x4a: {  	[tilespmem:s22], [sflag:$0x1] =	stream.indirect.gather [hbm4b:s14+s21], $0x40, s0, s21, $0xb8;
	[tilespmem:$0x1E280] =	vst v63  }
0x4b: {  	s4 =	simm.s32 $0x4;
	s1 =	simm.s32 @p0 $0x9C  }
0x4c: {  	[tilespmem:s23], [sflag:$0x2] =	stream.indirect.gather [hbm4b:s14+s21], $0x40, s21, s21, $0xb8;
	[tilespmem:$0x1E280] =	vst v63  }
.LBB2_4:
0x4d: {  	_ =	swait.ge [sflag:s24], $0x2000  }
0x4e: {  	s8 =	sshra.s32 s0, $0x2;
	[sflag:s24] =	ssyncset.done $0x0  }
0x4f: {  	s6 =	sadd.s32 $0x4E80, s8;
	[sflag:s24] =	ssyncadd.s32 $0xFFFFE000  }
0x50: {  	[spmem:s2] =	stream.indirect.scatter.add.f32 [tilespmem:s22], [sflag:$0x4], $0x40, s6, s21, $0xb8;
	[tilespmem:$0x1E280] =	vst v63  }
0x51: {  	s6 =	sshra.s32 @!p1 s0, $0x2  }
0x52: {  	v1 =	vld @!p1 [tilespmem:s6+$0x4E80];
	_ =	sdelay $0x6  }
0x53: {  	v2 =	vimm.f32 @!p1 $1.000000000e+00;
	s7 =	simm.s32 @!p1 $0x11D00  }
0x54: {  	[tilespmem:v1+s7+$0x0] =	vst.idx.add.f32.msk @!p1 $0xffff, v2  }
0x55: {  	v1 =	vld @!p1 [tilespmem:s6+$0x4E90];
	_ =	sdelay $0x7  }
0x56: {  	[tilespmem:v1+s7+$0x0] =	vst.idx.add.f32.msk @!p1 $0xffff, v2  }
0x57: {  	v1 =	vld @!p1 [tilespmem:s6+$0x4EA0];
	_ =	sdelay $0x7  }
0x58: {  	[tilespmem:v1+s7+$0x0] =	vst.idx.add.f32.msk @!p1 $0xffff, v2  }
0x59: {  	v1 =	vld @!p1 [tilespmem:s6+$0x4EB0];
	_ =	sdelay $0x7  }
0x5a: {  	[tilespmem:v1+s7+$0x0] =	vst.idx.add.f32.msk @!p1 $0xffff, v2  }
0x5b: {  	v1 =	vld @!p1 [tilespmem:s6+$0x4EC0];
	_ =	sdelay $0x7  }
0x5c: {  	[tilespmem:v1+s7+$0x0] =	vst.idx.add.f32.msk @!p1 $0xffff, v2  }
0x5d: {  	v1 =	vld @!p1 [tilespmem:s6+$0x4ED0];
	_ =	sdelay $0x7  }
0x5e: {  	[tilespmem:v1+s7+$0x0] =	vst.idx.add.f32.msk @!p1 $0xffff, v2  }
0x5f: {  	v1 =	vld @!p1 [tilespmem:s6+$0x4EE0];
	_ =	sdelay $0x7  }
0x60: {  	[tilespmem:v1+s7+$0x0] =	vst.idx.add.f32.msk @!p1 $0xffff, v2  }
0x61: {  	v1 =	vld @!p1 [tilespmem:s6+$0x4EF0];
	_ =	sdelay $0x6  }
0x62: {  	p4 =	seq.s32 s0, $0x0  }
0x63: {  	s9 =	simm.s32 @!p4 $0x6;
	[tilespmem:v1+s7+$0x0] =	vst.idx.add.f32.msk @!p1 $0xffff, v2  }
0x64: {  	_ =	swait.ge @!p4 [sflag:s9], $0x2000  }
0x65: {  	[sflag:s9] =	ssyncset.done @!p4 $0x0  }
0x66: {  	s12 =	sadd.s32 $0x100, s8;
	[sflag:s9] =	ssyncadd.s32 @!p4 $0xFFFFE000  }
0x67: {  	[tilespmem:s25], [sflag:$0x3] =	stream.indirect.gather [hbm4b:s14+s21], $0x40, s12, s21, $0xb8;
	[tilespmem:$0x1E280] =	vst v63  }
0x68: {  	_ =	swait.ge [sflag:s26], $0x2000  }
0x69: {  	[sflag:s26] =	ssyncset.done $0x0  }
0x6a: {  	s11 =	sadd.s32 $0x4F00, s8;
	[sflag:s26] =	ssyncadd.s32 $0xFFFFE000  }
0x6b: {  	[spmem:s2] =	stream.indirect.scatter.add.f32 [tilespmem:s23], [sflag:$0x5], $0x40, s11, s21, $0xb8;
	[tilespmem:$0x1E280] =	vst v63  }
0x6c: {  	v1 =	vld @!p2 [tilespmem:s8+$0x4F00];
	_ =	sdelay $0x6  }
0x6d: {  	v3 =	vimm.f32 @!p2 $1.000000000e+00;
	s9 =	simm.s32 @!p2 $0x11D00  }
0x6e: {  	s11 =	sshra.s32 @!p2 s0, $0x2;
	[tilespmem:v1+s9+$0x0] =	vst.idx.add.f32.msk @!p2 $0xffff, v3  }
0x6f: {  	v1 =	vld @!p2 [tilespmem:s11+$0x4F10];
	_ =	sdelay $0x7  }
0x70: {  	[tilespmem:v1+s9+$0x0] =	vst.idx.add.f32.msk @!p2 $0xffff, v3  }
0x71: {  	v1 =	vld @!p2 [tilespmem:s11+$0x4F20];
	_ =	sdelay $0x7  }
0x72: {  	[tilespmem:v1+s9+$0x0] =	vst.idx.add.f32.msk @!p2 $0xffff, v3  }
0x73: {  	v1 =	vld @!p2 [tilespmem:s11+$0x4F30];
	_ =	sdelay $0x7  }
0x74: {  	[tilespmem:v1+s9+$0x0] =	vst.idx.add.f32.msk @!p2 $0xffff, v3  }
0x75: {  	v1 =	vld @!p2 [tilespmem:s11+$0x4F40];
	_ =	sdelay $0x7  }
0x76: {  	[tilespmem:v1+s9+$0x0] =	vst.idx.add.f32.msk @!p2 $0xffff, v3  }
0x77: {  	v1 =	vld @!p2 [tilespmem:s11+$0x4F50];
	_ =	sdelay $0x7  }
0x78: {  	[tilespmem:v1+s9+$0x0] =	vst.idx.add.f32.msk @!p2 $0xffff, v3  }
0x79: {  	v1 =	vld @!p2 [tilespmem:s11+$0x4F60];
	_ =	sdelay $0x7  }
0x7a: {  	[tilespmem:v1+s9+$0x0] =	vst.idx.add.f32.msk @!p2 $0xffff, v3  }
0x7b: {  	v1 =	vld @!p2 [tilespmem:s11+$0x4F70];
	_ =	sdelay $0x5  }
0x7c: {  	s12 =	sadd.s32 $0xFFFFFFFF, s4  }
0x7d: {  	p4 =	sge.u32 s12, s1  }
0x7e: {  	[tilespmem:v1+s9+$0x0] =	vst.idx.add.f32.msk @!p2 $0xffff, v3;
	s9 =	simm.s32 @!p4 $0x4  }
0x7f: {  	_ =	swait.ge @!p4 [sflag:s9], $0x2000  }
0x80: {  	[sflag:s9] =	ssyncset.done @!p4 $0x0  }
0x81: {  	[sflag:s9] =	ssyncadd.s32 @!p4 $0xFFFFE000;
	s9 =	sshra.s32 @!p4 s0, $0x2  }
0x82: {  	s12 =	simm.s32 @!p4 $0x9D00;
	s11 =	simm.s32 @!p4 $0x80;
	s9 =	sadd.s32 @!p4 $0x180, s9  }
0x83: {  	[tilespmem:s12], [sflag:$0x1] =	stream.indirect.gather @!p4 [hbm4b:s14+s11], $0x40, s9, s11, $0xb8;
	[tilespmem:$0x1E280] =	vst v63  }
0x84: {  	_ =	swait.ge [sflag:s28], $0x2000  }
0x85: {  	[sflag:s28] =	ssyncset.done $0x0  }
0x86: {  	s12 =	sadd.s32 $0x4F80, s8;
	[sflag:s28] =	ssyncadd.s32 $0xFFFFE000  }
0x87: {  	[spmem:s2] =	stream.indirect.scatter.add.f32 [tilespmem:s25], [sflag:$0x6], $0x40, s12, s21, $0xb8;
	[tilespmem:$0x1E280] =	vst v63  }
0x88: {  	v1 =	vld @!p1 [tilespmem:s8+$0x4F80];
	_ =	sdelay $0x7  }
0x89: {  	[tilespmem:v1+s7+$0x0] =	vst.idx.add.f32.msk @!p1 $0xffff, v2  }
0x8a: {  	v1 =	vld @!p1 [tilespmem:s6+$0x4F90];
	_ =	sdelay $0x7  }
0x8b: {  	[tilespmem:v1+s7+$0x0] =	vst.idx.add.f32.msk @!p1 $0xffff, v2  }
0x8c: {  	v1 =	vld @!p1 [tilespmem:s6+$0x4FA0];
	_ =	sdelay $0x7  }
0x8d: {  	[tilespmem:v1+s7+$0x0] =	vst.idx.add.f32.msk @!p1 $0xffff, v2  }
0x8e: {  	v1 =	vld @!p1 [tilespmem:s6+$0x4FB0];
	_ =	sdelay $0x7  }
0x8f: {  	[tilespmem:v1+s7+$0x0] =	vst.idx.add.f32.msk @!p1 $0xffff, v2  }
0x90: {  	v1 =	vld @!p1 [tilespmem:s6+$0x4FC0];
	_ =	sdelay $0x7  }
0x91: {  	[tilespmem:v1+s7+$0x0] =	vst.idx.add.f32.msk @!p1 $0xffff, v2  }
0x92: {  	v1 =	vld @!p1 [tilespmem:s6+$0x4FD0];
	_ =	sdelay $0x7  }
0x93: {  	[tilespmem:v1+s7+$0x0] =	vst.idx.add.f32.msk @!p1 $0xffff, v2  }
0x94: {  	v1 =	vld @!p1 [tilespmem:s6+$0x4FE0];
	_ =	sdelay $0x7  }
0x95: {  	[tilespmem:v1+s7+$0x0] =	vst.idx.add.f32.msk @!p1 $0xffff, v2  }
0x96: {  	v1 =	vld @!p1 [tilespmem:s6+$0x4FF0];
	_ =	sdelay $0x6  }
0x97: {  	p4 =	sge.u32 s4, s1  }
0x98: {  	s6 =	simm.s32 @!p4 $0x5;
	[tilespmem:v1+s7+$0x0] =	vst.idx.add.f32.msk @!p1 $0xffff, v2  }
0x99: {  	_ =	swait.ge @!p4 [sflag:s6], $0x2000  }
0x9a: {  	[sflag:s6] =	ssyncset.done @!p4 $0x0  }
0x9b: {  	s8 =	simm.s32 @!p4 $0xBD00;
	[sflag:s6] =	ssyncadd.s32 @!p4 $0xFFFFE000;
	s6 =	sshra.s32 @!p4 s0, $0x2  }
0x9c: {  	s7 =	simm.s32 @!p4 $0x80;
	s0 =	sadd.s32 $0x600, s0;
	s6 =	sadd.s32 @!p4 $0x200, s6  }
0x9d: {  	[tilespmem:s8], [sflag:$0x2] =	stream.indirect.gather @!p4 [hbm4b:s14+s7], $0x40, s6, s7, $0xb8;
	[tilespmem:$0x1E280] =	vst v63  }
0x9e: {  	p4 =	sne.s32 s0, $0x13800  }
.Ltmp1:
0x9f: {  	_ = 	snop;
	(pc) =	sbr.rel @p4 .LBB2_4-.Ltmp1, $2  }
0xa0: {  	_ =	sdelay $0x2  }
0xa1: {  	s4 =	sadd.s32 $0x3, s4  }
0xa2: {  	s0 =	simm.s32 @!p0 $0x1  }
0xa3: {  	_ =	swait.ge @!p0 [sflag:s0], $0x2000  }
0xa4: {  	s1 =	simm.s32 @!p0 $0x9C80;
	[sflag:s0] =	ssyncset.done @!p0 $0x0  }
0xa5: {  	s4 =	simm.s32 @!p0 $0x9D00;
	[sflag:s0] =	ssyncadd.s32 @!p0 $0xFFFFE000;
	s0 =	simm.s32 @!p0 $0x80  }
0xa6: {  	[spmem:s2] =	stream.indirect.scatter.add.f32 @!p0 [tilespmem:s4], [sflag:$0x4], $0x40, s1, s0, $0xb8;
	[tilespmem:$0x1E280] =	vst v63  }
0xa7: {  	v1 =	vld @!p3 [tilespmem:$0x9C80];
	_ =	sdelay $0x6  }
0xa8: {  	v2 =	vimm.f32 @!p3 $1.000000000e+00;
	s0 =	simm.s32 @!p3 $0x11D00  }
0xa9: {  	[tilespmem:v1+s0+$0x0] =	vst.idx.add.f32.msk @!p3 $0xffff, v2  }
0xaa: {  	v1 =	vld @!p3 [tilespmem:$0x9C90];
	_ =	sdelay $0x7  }
0xab: {  	[tilespmem:v1+s0+$0x0] =	vst.idx.add.f32.msk @!p3 $0xffff, v2  }
0xac: {  	v1 =	vld @!p3 [tilespmem:$0x9CA0];
	_ =	sdelay $0x7  }
0xad: {  	[tilespmem:v1+s0+$0x0] =	vst.idx.add.f32.msk @!p3 $0xffff, v2  }
0xae: {  	v1 =	vld @!p3 [tilespmem:$0x9CB0];
	_ =	sdelay $0x7  }
0xaf: {  	[tilespmem:v1+s0+$0x0] =	vst.idx.add.f32.msk @!p3 $0xffff, v2  }
0xb0: {  	v1 =	vld @!p3 [tilespmem:$0x9CC0];
	_ =	sdelay $0x7  }
0xb1: {  	[tilespmem:v1+s0+$0x0] =	vst.idx.add.f32.msk @!p3 $0xffff, v2  }
0xb2: {  	v1 =	vld @!p3 [tilespmem:$0x9CD0];
	_ =	sdelay $0x7  }
0xb3: {  	[tilespmem:v1+s0+$0x0] =	vst.idx.add.f32.msk @!p3 $0xffff, v2  }
0xb4: {  	v1 =	vld @!p3 [tilespmem:$0x9CE0];
	_ =	sdelay $0x7  }
0xb5: {  	[tilespmem:v1+s0+$0x0] =	vst.idx.add.f32.msk @!p3 $0xffff, v2  }
0xb6: {  	v1 =	vld @!p3 [tilespmem:$0x9CF0];
	_ =	sdelay $0x7  }
0xb7: {  	[tilespmem:v1+s0+$0x0] =	vst.idx.add.f32.msk @!p3 $0xffff, v2  }
0xb8: {  	_ =	swait.ge [sflag:s29], $0x2000  }
0xb9: {  	[sflag:s29] =	ssyncset.done $0x0  }
0xba: {  	[sflag:s29] =	ssyncadd.s32 $0xFFFFE000  }
0xbb: {  	_ =	swait.ge [sflag:s30], $0x2000  }
0xbc: {  	[sflag:s30] =	ssyncset.done $0x0  }
0xbd: {  	[sflag:s30] =	ssyncadd.s32 $0xFFFFE000  }
0xbe: {  	_ =	swait.ge [sflag:s31], $0x2000  }
0xbf: {  	s9 =	stileid.u32;
	[sflag:s31] =	ssyncset.done $0x0  }
0xc0: {  	s0 =	sshll.u32 s9, $0x6;
	[sflag:s31] =	ssyncadd.s32 $0xFFFFE000  }
0xc1: {  	s11 =	sshrl.u32 s5, $0x3;
	s0 =	sor.u32 $0x1C07, s0;
	[bflag:$0x0] =	sbarrier.arrive $0xFFFF  }
0xc2: {  	[hbm:s15], [sflag:s0] =	dma.local [spmem:s11], $0x13C0  }
0xc3: {  	s20 =	sadd.s32 $0x1, s20;
	_ =	swait.ge [sflag:s19], $0x13C0  }
0xc4: {  	p4 =	sne.s32 s20, s17;
	[sflag:s19] =	ssyncset.done $0x0  }
.Ltmp2:
0xc5: {  	s12 =	simm.s32 $0x11D00;
	[sflag:s19] =	ssyncadd.s32 $0xFFFFEC40;
	(pc) =	sbr.rel @p4 .LBB2_1-.Ltmp2, $4  }
0xc6: {  	[hbm4b:s16+s3] =	stream.linear.scatter [tilespmem:s12], [sflag:$0x7], $0x2780, $0x38;
	[tilespmem:$0x1E280] =	vst v63  }
0xc7: {  	_ =	swait.ge [sflag:s19], $0x2780  }
0xc8: {  	[sflag:s19] =	ssyncset.done $0x0  }
0xc9: {  	[sflag:s19] =	ssyncadd.s32 $0xFFFFD880  }
0xca: {  	_ =	sfence.sel $0x180000  }
0xcb: {  	[bflag:$0x0] =	sbarrier.arrive $0xFFFF  }
0xcc: {  	_ =	strace $0x90000047  }
0xcd: {  	s0 =	stileid.u32;
	[bflag:$0x2] =	sbarrier.arrive $0xFFFF  }
0xce: {  	p0 =	sne.s32 s0, $0x0;
	s0 =	rddreg [dreg:$0x3]  }
0xcf: {  	s0 =	sadd.s32 @!p0 $0x100000, s0  }
0xd0: {  	[sflag:s0] =	ssyncadd.tile.s32 @!p0 $0x1;
	_ =	shalt  }
.Lfunc_end2:
_tile_overlayer_lowered:
.L_overlay_start_2:
0xd1: {  	(tag) =	ssettag $0x2  }
0xd2: {  	s0 =	rddreg [dreg:$0x0];
	s2 =	stileid.u32  }
0xd3: {  	s1 =	rddreg [dreg:$0x1];
	p0 =	sne.s32 s2, $0x0  }
0xd4: {  	s3 =	rddreg [dreg:$0x2];
	[bflag:$0x3] =	sbarrier.arrive $0xFFFF;
	s2 =	simm.s32 @!p0 $0x1C07  }
0xd5: {  	[timem:s3], [sflag:s2] =	dma.local @!p0 [hbm:s0], s1  }
0xd6: {  	s0 =	simm.s32 @!p0 $0x7  }
0xd7: {  	_ =	swait.ge @!p0 [sflag:s0], s1  }
0xd8: {  	s1 =	ssub.s32 @!p0 $0x0, s1;
	[sflag:s0] =	ssyncset.done @!p0 $0x0  }
0xd9: {  	[sflag:s0] =	ssyncadd.s32 @!p0 s1  }
0xda: {  	[bflag:$0x3] =	sbarrier.arrive $0xFFFF  }
0xdb: {  	_ =	shalt  }

</sc_bundles>
